<compile_context>
chip_gen: v7x
topology: tpu7x:2x2x1
jax: 0.10.2.dev20260603
libtpu: 0.0.44.dev20260713+nightly
codegen_flags: <defaults>
</compile_context>

<pallas_src>
import functools

import jax
import jax.numpy as jnp
from jax import lax
from jax.experimental import pallas as pl
from jax.experimental.pallas import tpu as pltpu
from jax.experimental.pallas import tpu_sc as plsc

BATCH = 256
MAXLEN = 50
CLIP = 30
COPYLEN = 30
TCHUNK = 15
NCHUNK = COPYLEN // TCHUNK
DIM = 128
LANES = 16
NVEC = DIM // LANES


def _recip_vec(den_f32_scalar):
    nf = jnp.broadcast_to(den_f32_scalar, (LANES,))
    seed = jnp.asarray(0x7EF311C3, jnp.int32) - lax.bitcast_convert_type(
        nf, jnp.int32
    )
    y = lax.bitcast_convert_type(seed, jnp.float32)
    two = jnp.full((LANES,), 2.0, jnp.float32)
    y = y * (two - nf * y)
    y = y * (two - nf * y)
    y = y * (two - nf * y)
    return y


def _make_kernel():
    info = plsc.get_sparse_core_info()
    nc, ns = info.num_cores, info.num_subcores
    nw = nc * ns
    rows_per_w = BATCH // nw

    mesh = plsc.VectorSubcoreMesh(core_axis_name="c", subcore_axis_name="s")

    @functools.partial(
        pl.kernel,
        mesh=mesh,
        out_type=jax.ShapeDtypeStruct((BATCH, DIM), jnp.float32),
        scratch_types=[
            pltpu.VMEM((BATCH + LANES,), jnp.int32),
            pltpu.VMEM((COPYLEN, 8, DIM), jnp.float32),
            pltpu.VMEM((rows_per_w, DIM), jnp.float32),
            pltpu.SemaphoreType.DMA,
        ],
    )
    def seq_mean(xt_hbm, len_hbm, out_hbm, len_v, buf_v, out_v, sem):
        wid = lax.axis_index("s") * nc + lax.axis_index("c")
        base = wid * rows_per_w

        pltpu.sync_copy(len_hbm, len_v.at[pl.ds(0, BATCH)])
        copies = [
            pltpu.async_copy(
                xt_hbm.at[pl.ds(c * TCHUNK, TCHUNK), pl.ds(base, rows_per_w)],
                buf_v.at[pl.ds(c * TCHUNK, TCHUNK)],
                sem,
            )
            for c in range(NCHUNK)
        ]

        zeros = tuple(jnp.zeros((LANES,), jnp.float32) for _ in range(NVEC))

        for c in range(NCHUNK):
            copies[c].wait()
            lo = c * TCHUNK

            def row_body(r, _, _lo=lo, _last=(c == NCHUNK - 1)):
                ln = len_v[pl.ds(base + r, LANES)][0]
                lnc = jnp.minimum(ln, CLIP)
                hi = jnp.maximum(jnp.minimum(lnc, _lo + TCHUNK), _lo)
                if _lo == 0:
                    accs = zeros
                else:
                    accs = tuple(
                        out_v[r, pl.ds(k * LANES, LANES)] for k in range(NVEC)
                    )

                def t_body(t, a):
                    return tuple(
                        ak + buf_v[t, r, pl.ds(k * LANES, LANES)]
                        for k, ak in enumerate(a)
                    )

                accs = lax.fori_loop(_lo, hi, t_body, accs)
                if _last:
                    den = jnp.maximum(lnc, 1).astype(jnp.float32)
                    scale = _recip_vec(den)
                    accs = tuple(ak * scale for ak in accs)
                for k in range(NVEC):
                    out_v[r, pl.ds(k * LANES, LANES)] = accs[k]
                return 0

            lax.fori_loop(0, rows_per_w, row_body, 0)

        pltpu.sync_copy(out_v, out_hbm.at[pl.ds(base, rows_per_w)])

    return seq_mean


_seq_mean = _make_kernel()


def kernel(opt_seq_embedding, length):
    xt = jnp.transpose(opt_seq_embedding, (1, 0, 2))
    return _seq_mean(xt, length)

# --- scband reference (transcript-rebuilt; emitter-appended) ---
"""Pipeline reference for scband-model-seq-24764781429185 (READ-ONLY COPY).

The authoritative reference and input builder live on the scoring server;
editing this copy changes nothing except your own understanding.
"""

import jax, jax.numpy as jnp
import numpy as np

BATCH = 256
MAXLEN = 50
CLIP = 30
DIM = 128

def setup_inputs(seed: int = 0) -> dict:
    key = jax.random.key(seed)
    k1, k2 = jax.random.split(key)
    opt_seq_embedding = jax.random.normal(k1, (BATCH, MAXLEN, DIM), dtype=jnp.float32)
    length = jax.random.randint(k2, (BATCH,), 0, MAXLEN, dtype=jnp.int32)
    return {"opt_seq_embedding": opt_seq_embedding, "length": length}

def reference(opt_seq_embedding, length):
    # length = where(length <= 30, length, 30)
    clipped = jnp.where(length <= CLIP, length, jnp.full_like(length, CLIP))
    # sequence_mask(maxlen=50)
    mask = jnp.arange(MAXLEN, dtype=jnp.int32)[None, :] < clipped[:, None]
    mask_3d = mask[:, :, None].astype(jnp.float32)
    masked = opt_seq_embedding * mask_3d
    seq_sum = jnp.sum(masked, axis=1)
    new_length = jnp.where(clipped < 1, clipped + 1, clipped)
    seq_mean = seq_sum / new_length[:, None].astype(jnp.float32)
    return seq_mean

if __name__ == "__main__":
    import jax
    _d = setup_inputs()
    print(jax.jit(kernel)(*tuple(_d.values())))

</pallas_src>

<mosaic_0001>
#map = affine_map<(d0, d1) -> (0, 0, 0)>
#map1 = affine_map<(d0, d1) -> (0)>
#map2 = affine_map<(d0, d1) -> (0, 0)>
module attributes {stable_mosaic.version = 14 : i64} {
  func.func @seq_mean(%arg0: i32, %arg1: i32, %arg2: memref<50x256x128xf32, #tpu.memory_space<hbm>>, %arg3: memref<256xi32, #tpu.memory_space<hbm>>, %arg4: memref<256x128xf32, #tpu.memory_space<hbm>>, %arg5: memref<272xi32, #tpu.memory_space<vmem>>, %arg6: memref<30x8x128xf32, #tpu.memory_space<vmem>>, %arg7: memref<8x128xf32, #tpu.memory_space<vmem>>, %arg8: memref<!tpu.dma_semaphore, #tpu.memory_space<semaphore_mem>>) attributes {dimension_semantics = [#tpu.dimension_semantics<core_parallel>, #tpu.dimension_semantics<subcore_parallel>], iteration_bounds = array<i64: 2, 16>, scalar_prefetch = 0 : i64, scratch_operands = 4 : i64, tpu.core_type = #tpu.core_type<sc_vector_subcore>, window_params = [{transform_indices = #map}, {transform_indices = #map1}, {transform_indices = #map2}]} {
    %mul3A = arith.constant 2 : i32
    %mul3A_0 = arith.muli %arg1, %mul3A : i32
    %add3A = arith.addi %mul3A_0, %arg0 : i32
    %mul3A_1 = arith.constant 8 : i32
    %mul3A_2 = arith.muli %add3A, %mul3A_1 : i32
    "tpu.region"() ({
      %run_scoped3A = tpu.sem_alloc : memref<!tpu.dma_semaphore, #tpu.memory_space<semaphore_mem>>
      %dma_start3A_85 = arith.constant 0 : i32
      %dma_start3A_86 = tpu.memref_slice %arg5[%dma_start3A_85] : memref<272xi32, #tpu.memory_space<vmem>> -> memref<256xi32, #tpu.memory_space<vmem>>
      %dma_start3A_87 = arith.constant 0 : i32
      %dma_start3A_88 = tpu.memref_slice %arg5[%dma_start3A_87] : memref<272xi32, #tpu.memory_space<vmem>> -> memref<256xi32, #tpu.memory_space<vmem>>
      tpu.enqueue_dma source(%arg3 : memref<256xi32, #tpu.memory_space<hbm>>) target(%dma_start3A_88 : memref<256xi32, #tpu.memory_space<vmem>>) target_semaphore(%run_scoped3A : memref<!tpu.dma_semaphore, #tpu.memory_space<semaphore_mem>>)
      %dma_wait3A_89 = arith.constant 0 : i32
      %dma_wait3A_90 = tpu.memref_slice %arg5[%dma_wait3A_89] : memref<272xi32, #tpu.memory_space<vmem>> -> memref<256xi32, #tpu.memory_space<vmem>>
      %dma_wait3A_91 = arith.constant 0 : i32
      %dma_wait3A_92 = tpu.memref_slice %arg5[%dma_wait3A_91] : memref<272xi32, #tpu.memory_space<vmem>> -> memref<256xi32, #tpu.memory_space<vmem>>
      tpu.wait_dma2 semaphore(%run_scoped3A : memref<!tpu.dma_semaphore, #tpu.memory_space<semaphore_mem>>) src(%arg3 : memref<256xi32, #tpu.memory_space<hbm>>) dst(%dma_wait3A_92 : memref<256xi32, #tpu.memory_space<vmem>>)
      tpu.yield
    }) : () -> ()
    %dma_start3A = arith.constant 0 : i32
    %dma_start3A_3 = arith.constant 0 : i32
    %dma_start3A_4 = arith.constant 0 : i32
    %dma_start3A_5 = tpu.memref_slice %arg6[%dma_start3A, %dma_start3A_3, %dma_start3A_4] : memref<30x8x128xf32, #tpu.memory_space<vmem>> -> memref<15x8x128xf32, #tpu.memory_space<vmem>>
    %dma_start3A_6 = arith.constant 0 : i32
    %dma_start3A_7 = arith.constant 0 : i32
    %dma_start3A_8 = tpu.memref_slice %arg2[%dma_start3A_6, %mul3A_2, %dma_start3A_7] : memref<50x256x128xf32, #tpu.memory_space<hbm>> -> memref<15x8x128xf32, #tpu.memory_space<hbm>>
    %dma_start3A_9 = arith.constant 0 : i32
    %dma_start3A_10 = arith.constant 0 : i32
    %dma_start3A_11 = arith.constant 0 : i32
    %dma_start3A_12 = tpu.memref_slice %arg6[%dma_start3A_9, %dma_start3A_10, %dma_start3A_11] : memref<30x8x128xf32, #tpu.memory_space<vmem>> -> memref<15x8x128xf32, #tpu.memory_space<vmem>>
    %dma_start3A_13 = arith.constant 0 : i32
    %dma_start3A_14 = arith.constant 0 : i32
    %dma_start3A_15 = tpu.memref_slice %arg2[%dma_start3A_13, %mul3A_2, %dma_start3A_14] : memref<50x256x128xf32, #tpu.memory_space<hbm>> -> memref<15x8x128xf32, #tpu.memory_space<hbm>>
    tpu.enqueue_dma source(%dma_start3A_15 : memref<15x8x128xf32, #tpu.memory_space<hbm>>) target(%dma_start3A_12 : memref<15x8x128xf32, #tpu.memory_space<vmem>>) target_semaphore(%arg8 : memref<!tpu.dma_semaphore, #tpu.memory_space<semaphore_mem>>)
    %dma_start3A_16 = arith.constant 15 : i32
    %dma_start3A_17 = arith.constant 0 : i32
    %dma_start3A_18 = arith.constant 0 : i32
    %dma_start3A_19 = tpu.memref_slice %arg6[%dma_start3A_16, %dma_start3A_17, %dma_start3A_18] : memref<30x8x128xf32, #tpu.memory_space<vmem>> -> memref<15x8x128xf32, #tpu.memory_space<vmem>>
    %dma_start3A_20 = arith.constant 15 : i32
    %dma_start3A_21 = arith.constant 0 : i32
    %dma_start3A_22 = tpu.memref_slice %arg2[%dma_start3A_20, %mul3A_2, %dma_start3A_21] : memref<50x256x128xf32, #tpu.memory_space<hbm>> -> memref<15x8x128xf32, #tpu.memory_space<hbm>>
    %dma_start3A_23 = arith.constant 15 : i32
    %dma_start3A_24 = arith.constant 0 : i32
    %dma_start3A_25 = arith.constant 0 : i32
    %dma_start3A_26 = tpu.memref_slice %arg6[%dma_start3A_23, %dma_start3A_24, %dma_start3A_25] : memref<30x8x128xf32, #tpu.memory_space<vmem>> -> memref<15x8x128xf32, #tpu.memory_space<vmem>>
    %dma_start3A_27 = arith.constant 15 : i32
    %dma_start3A_28 = arith.constant 0 : i32
    %dma_start3A_29 = tpu.memref_slice %arg2[%dma_start3A_27, %mul3A_2, %dma_start3A_28] : memref<50x256x128xf32, #tpu.memory_space<hbm>> -> memref<15x8x128xf32, #tpu.memory_space<hbm>>
    tpu.enqueue_dma source(%dma_start3A_29 : memref<15x8x128xf32, #tpu.memory_space<hbm>>) target(%dma_start3A_26 : memref<15x8x128xf32, #tpu.memory_space<vmem>>) target_semaphore(%arg8 : memref<!tpu.dma_semaphore, #tpu.memory_space<semaphore_mem>>)
    %broadcast_in_dim3A = arith.constant 0.000000e+00 : f32
    %broadcast_in_dim3A_30 = vector.broadcast %broadcast_in_dim3A : f32 to vector<16xf32>
    %broadcast_in_dim3A_31 = arith.constant 0.000000e+00 : f32
    %broadcast_in_dim3A_32 = vector.broadcast %broadcast_in_dim3A_31 : f32 to vector<16xf32>
    %broadcast_in_dim3A_33 = arith.constant 0.000000e+00 : f32
    %broadcast_in_dim3A_34 = vector.broadcast %broadcast_in_dim3A_33 : f32 to vector<16xf32>
    %broadcast_in_dim3A_35 = arith.constant 0.000000e+00 : f32
    %broadcast_in_dim3A_36 = vector.broadcast %broadcast_in_dim3A_35 : f32 to vector<16xf32>
    %broadcast_in_dim3A_37 = arith.constant 0.000000e+00 : f32
    %broadcast_in_dim3A_38 = vector.broadcast %broadcast_in_dim3A_37 : f32 to vector<16xf32>
    %broadcast_in_dim3A_39 = arith.constant 0.000000e+00 : f32
    %broadcast_in_dim3A_40 = vector.broadcast %broadcast_in_dim3A_39 : f32 to vector<16xf32>
    %broadcast_in_dim3A_41 = arith.constant 0.000000e+00 : f32
    %broadcast_in_dim3A_42 = vector.broadcast %broadcast_in_dim3A_41 : f32 to vector<16xf32>
    %broadcast_in_dim3A_43 = arith.constant 0.000000e+00 : f32
    %broadcast_in_dim3A_44 = vector.broadcast %broadcast_in_dim3A_43 : f32 to vector<16xf32>
    %dma_wait3A = arith.constant 0 : i32
    %dma_wait3A_45 = arith.constant 0 : i32
    %dma_wait3A_46 = arith.constant 0 : i32
    %dma_wait3A_47 = tpu.memref_slice %arg6[%dma_wait3A, %dma_wait3A_45, %dma_wait3A_46] : memref<30x8x128xf32, #tpu.memory_space<vmem>> -> memref<15x8x128xf32, #tpu.memory_space<vmem>>
    %dma_wait3A_48 = arith.constant 0 : i32
    %dma_wait3A_49 = arith.constant 0 : i32
    %dma_wait3A_50 = tpu.memref_slice %arg2[%dma_wait3A_48, %mul3A_2, %dma_wait3A_49] : memref<50x256x128xf32, #tpu.memory_space<hbm>> -> memref<15x8x128xf32, #tpu.memory_space<hbm>>
    %dma_wait3A_51 = arith.constant 0 : i32
    %dma_wait3A_52 = arith.constant 0 : i32
    %dma_wait3A_53 = arith.constant 0 : i32
    %dma_wait3A_54 = tpu.memref_slice %arg6[%dma_wait3A_51, %dma_wait3A_52, %dma_wait3A_53] : memref<30x8x128xf32, #tpu.memory_space<vmem>> -> memref<15x8x128xf32, #tpu.memory_space<vmem>>
    %dma_wait3A_55 = arith.constant 0 : i32
    %dma_wait3A_56 = arith.constant 0 : i32
    %dma_wait3A_57 = tpu.memref_slice %arg2[%dma_wait3A_55, %mul3A_2, %dma_wait3A_56] : memref<50x256x128xf32, #tpu.memory_space<hbm>> -> memref<15x8x128xf32, #tpu.memory_space<hbm>>
    tpu.wait_dma2 semaphore(%arg8 : memref<!tpu.dma_semaphore, #tpu.memory_space<semaphore_mem>>) src(%dma_wait3A_57 : memref<15x8x128xf32, #tpu.memory_space<hbm>>) dst(%dma_wait3A_54 : memref<15x8x128xf32, #tpu.memory_space<vmem>>)
    %scan3A = arith.constant 0 : i32
    %scan3A_58 = arith.constant 0 : i32
    %scan3A_59 = arith.constant 8 : i32
    %scan3A_60 = arith.addi %scan3A_58, %scan3A_59 : i32
    %scan3A_61 = arith.constant 1 : i32
    %scan3A_62 = scf.for %scan3A_85 = %scan3A_58 to %scan3A_60 step %scan3A_61 iter_args(%scan3A_86 = %scan3A) -> (i32)  : i32 {
      %add3A_87 = arith.addi %mul3A_2, %scan3A_85 : i32
      %get3A = arith.index_cast %add3A_87 : i32 to index
      %get3A_88 = tpu.vector_load %arg5[%get3A] {strides = array<i32>} : memref<272xi32, #tpu.memory_space<vmem>>, vector<16xi32>,
      %get3A_89 = vector.shape_cast %get3A_88 : vector<16xi32> to vector<16xi32>
      %slice3A = vector.extract_strided_slice %get3A_89 {offsets = [0], sizes = [1], strides = [1]} : vector<16xi32> to vector<1xi32>
      %squeeze3A = vector.extract %slice3A[0] : i32 from vector<1xi32>
      %min3A = arith.constant 30 : i32
      %min3A_90 = arith.minsi %squeeze3A, %min3A : i32
      %min3A_91 = arith.constant 15 : i32
      %min3A_92 = arith.minsi %min3A_90, %min3A_91 : i32
      %max3A = arith.constant 0 : i32
      %max3A_93 = arith.maxsi %min3A_92, %max3A : i32
      %while3A = arith.constant 0 : i32
      %while3A_94 = arith.subi %max3A_93, %while3A : i32
      %while3A_95 = arith.addi %while3A, %while3A_94 : i32
      %while3A_96 = arith.constant 1 : i32
      %while3A_97 = arith.divsi %while3A_94, %while3A_96 : i32
      %while3A_98 = arith.muli %while3A_97, %while3A_96 : i32
      %while3A_99 = arith.addi %while3A, %while3A_98 : i32
      %while3A_100 = arith.constant 1 : i32
      %while3A_101:8 = scf.for %while3A_144 = %while3A to %while3A_99 step %while3A_100 iter_args(%while3A_145 = %broadcast_in_dim3A_30, %while3A_146 = %broadcast_in_dim3A_32, %while3A_147 = %broadcast_in_dim3A_34, %while3A_148 = %broadcast_in_dim3A_36, %while3A_149 = %broadcast_in_dim3A_38, %while3A_150 = %broadcast_in_dim3A_40, %while3A_151 = %broadcast_in_dim3A_42, %while3A_152 = %broadcast_in_dim3A_44) -> (vector<16xf32>, vector<16xf32>, vector<16xf32>, vector<16xf32>, vector<16xf32>, vector<16xf32>, vector<16xf32>, vector<16xf32>)  : i32 {
        %get3A_153 = arith.index_cast %while3A_144 : i32 to index
        %get3A_154 = arith.index_cast %scan3A_85 : i32 to index
        %get3A_155 = arith.constant 0 : index
        %get3A_156 = tpu.vector_load %arg6[%get3A_153, %get3A_154, %get3A_155] {strides = array<i32>} : memref<30x8x128xf32, #tpu.memory_space<vmem>>, vector<1x1x16xf32>,
        %get3A_157 = vector.shape_cast %get3A_156 : vector<1x1x16xf32> to vector<16xf32>
        %add3A_158 = arith.addf %while3A_145, %get3A_157 : vector<16xf32>
        %get3A_159 = arith.index_cast %while3A_144 : i32 to index
        %get3A_160 = arith.index_cast %scan3A_85 : i32 to index
        %get3A_161 = arith.constant 16 : index
        %get3A_162 = tpu.vector_load %arg6[%get3A_159, %get3A_160, %get3A_161] {strides = array<i32>} : memref<30x8x128xf32, #tpu.memory_space<vmem>>, vector<1x1x16xf32>,
        %get3A_163 = vector.shape_cast %get3A_162 : vector<1x1x16xf32> to vector<16xf32>
        %add3A_164 = arith.addf %while3A_146, %get3A_163 : vector<16xf32>
        %get3A_165 = arith.index_cast %while3A_144 : i32 to index
        %get3A_166 = arith.index_cast %scan3A_85 : i32 to index
        %get3A_167 = arith.constant 32 : index
        %get3A_168 = tpu.vector_load %arg6[%get3A_165, %get3A_166, %get3A_167] {strides = array<i32>} : memref<30x8x128xf32, #tpu.memory_space<vmem>>, vector<1x1x16xf32>,
        %get3A_169 = vector.shape_cast %get3A_168 : vector<1x1x16xf32> to vector<16xf32>
        %add3A_170 = arith.addf %while3A_147, %get3A_169 : vector<16xf32>
        %get3A_171 = arith.index_cast %while3A_144 : i32 to index
        %get3A_172 = arith.index_cast %scan3A_85 : i32 to index
        %get3A_173 = arith.constant 48 : index
        %get3A_174 = tpu.vector_load %arg6[%get3A_171, %get3A_172, %get3A_173] {strides = array<i32>} : memref<30x8x128xf32, #tpu.memory_space<vmem>>, vector<1x1x16xf32>,
        %get3A_175 = vector.shape_cast %get3A_174 : vector<1x1x16xf32> to vector<16xf32>
        %add3A_176 = arith.addf %while3A_148, %get3A_175 : vector<16xf32>
        %get3A_177 = arith.index_cast %while3A_144 : i32 to index
        %get3A_178 = arith.index_cast %scan3A_85 : i32 to index
        %get3A_179 = arith.constant 64 : index
        %get3A_180 = tpu.vector_load %arg6[%get3A_177, %get3A_178, %get3A_179] {strides = array<i32>} : memref<30x8x128xf32, #tpu.memory_space<vmem>>, vector<1x1x16xf32>,
        %get3A_181 = vector.shape_cast %get3A_180 : vector<1x1x16xf32> to vector<16xf32>
        %add3A_182 = arith.addf %while3A_149, %get3A_181 : vector<16xf32>
        %get3A_183 = arith.index_cast %while3A_144 : i32 to index
        %get3A_184 = arith.index_cast %scan3A_85 : i32 to index
        %get3A_185 = arith.constant 80 : index
        %get3A_186 = tpu.vector_load %arg6[%get3A_183, %get3A_184, %get3A_185] {strides = array<i32>} : memref<30x8x128xf32, #tpu.memory_space<vmem>>, vector<1x1x16xf32>,
        %get3A_187 = vector.shape_cast %get3A_186 : vector<1x1x16xf32> to vector<16xf32>
        %add3A_188 = arith.addf %while3A_150, %get3A_187 : vector<16xf32>
        %get3A_189 = arith.index_cast %while3A_144 : i32 to index
        %get3A_190 = arith.index_cast %scan3A_85 : i32 to index
        %get3A_191 = arith.constant 96 : index
        %get3A_192 = tpu.vector_load %arg6[%get3A_189, %get3A_190, %get3A_191] {strides = array<i32>} : memref<30x8x128xf32, #tpu.memory_space<vmem>>, vector<1x1x16xf32>,
        %get3A_193 = vector.shape_cast %get3A_192 : vector<1x1x16xf32> to vector<16xf32>
        %add3A_194 = arith.addf %while3A_151, %get3A_193 : vector<16xf32>
        %get3A_195 = arith.index_cast %while3A_144 : i32 to index
        %get3A_196 = arith.index_cast %scan3A_85 : i32 to index
        %get3A_197 = arith.constant 112 : index
        %get3A_198 = tpu.vector_load %arg6[%get3A_195, %get3A_196, %get3A_197] {strides = array<i32>} : memref<30x8x128xf32, #tpu.memory_space<vmem>>, vector<1x1x16xf32>,
        %get3A_199 = vector.shape_cast %get3A_198 : vector<1x1x16xf32> to vector<16xf32>
        %add3A_200 = arith.addf %while3A_152, %get3A_199 : vector<16xf32>
        scf.yield %add3A_158, %add3A_164, %add3A_170, %add3A_176, %add3A_182, %add3A_188, %add3A_194, %add3A_200 : vector<16xf32>, vector<16xf32>, vector<16xf32>, vector<16xf32>, vector<16xf32>, vector<16xf32>, vector<16xf32>, vector<16xf32>
      }
      %while3A_102 = arith.constant 1 : i32
      %while3A_103:8 = scf.for %while3A_144 = %while3A_99 to %while3A_95 step %while3A_102 iter_args(%while3A_145 = %while3A_101#0, %while3A_146 = %while3A_101#1, %while3A_147 = %while3A_101#2, %while3A_148 = %while3A_101#3, %while3A_149 = %while3A_101#4, %while3A_150 = %while3A_101#5, %while3A_151 = %while3A_101#6, %while3A_152 = %while3A_101#7) -> (vector<16xf32>, vector<16xf32>, vector<16xf32>, vector<16xf32>, vector<16xf32>, vector<16xf32>, vector<16xf32>, vector<16xf32>)  : i32 {
        %get3A_153 = arith.index_cast %while3A_144 : i32 to index
        %get3A_154 = arith.index_cast %scan3A_85 : i32 to index
        %get3A_155 = arith.constant 0 : index
        %get3A_156 = tpu.vector_load %arg6[%get3A_153, %get3A_154, %get3A_155] {strides = array<i32>} : memref<30x8x128xf32, #tpu.memory_space<vmem>>, vector<1x1x16xf32>,
        %get3A_157 = vector.shape_cast %get3A_156 : vector<1x1x16xf32> to vector<16xf32>
        %add3A_158 = arith.addf %while3A_145, %get3A_157 : vector<16xf32>
        %get3A_159 = arith.index_cast %while3A_144 : i32 to index
        %get3A_160 = arith.index_cast %scan3A_85 : i32 to index
        %get3A_161 = arith.constant 16 : index
        %get3A_162 = tpu.vector_load %arg6[%get3A_159, %get3A_160, %get3A_161] {strides = array<i32>} : memref<30x8x128xf32, #tpu.memory_space<vmem>>, vector<1x1x16xf32>,
        %get3A_163 = vector.shape_cast %get3A_162 : vector<1x1x16xf32> to vector<16xf32>
        %add3A_164 = arith.addf %while3A_146, %get3A_163 : vector<16xf32>
        %get3A_165 = arith.index_cast %while3A_144 : i32 to index
        %get3A_166 = arith.index_cast %scan3A_85 : i32 to index
        %get3A_167 = arith.constant 32 : index
        %get3A_168 = tpu.vector_load %arg6[%get3A_165, %get3A_166, %get3A_167] {strides = array<i32>} : memref<30x8x128xf32, #tpu.memory_space<vmem>>, vector<1x1x16xf32>,
        %get3A_169 = vector.shape_cast %get3A_168 : vector<1x1x16xf32> to vector<16xf32>
        %add3A_170 = arith.addf %while3A_147, %get3A_169 : vector<16xf32>
        %get3A_171 = arith.index_cast %while3A_144 : i32 to index
        %get3A_172 = arith.index_cast %scan3A_85 : i32 to index
        %get3A_173 = arith.constant 48 : index
        %get3A_174 = tpu.vector_load %arg6[%get3A_171, %get3A_172, %get3A_173] {strides = array<i32>} : memref<30x8x128xf32, #tpu.memory_space<vmem>>, vector<1x1x16xf32>,
        %get3A_175 = vector.shape_cast %get3A_174 : vector<1x1x16xf32> to vector<16xf32>
        %add3A_176 = arith.addf %while3A_148, %get3A_175 : vector<16xf32>
        %get3A_177 = arith.index_cast %while3A_144 : i32 to index
        %get3A_178 = arith.index_cast %scan3A_85 : i32 to index
        %get3A_179 = arith.constant 64 : index
        %get3A_180 = tpu.vector_load %arg6[%get3A_177, %get3A_178, %get3A_179] {strides = array<i32>} : memref<30x8x128xf32, #tpu.memory_space<vmem>>, vector<1x1x16xf32>,
        %get3A_181 = vector.shape_cast %get3A_180 : vector<1x1x16xf32> to vector<16xf32>
        %add3A_182 = arith.addf %while3A_149, %get3A_181 : vector<16xf32>
        %get3A_183 = arith.index_cast %while3A_144 : i32 to index
        %get3A_184 = arith.index_cast %scan3A_85 : i32 to index
        %get3A_185 = arith.constant 80 : index
        %get3A_186 = tpu.vector_load %arg6[%get3A_183, %get3A_184, %get3A_185] {strides = array<i32>} : memref<30x8x128xf32, #tpu.memory_space<vmem>>, vector<1x1x16xf32>,
        %get3A_187 = vector.shape_cast %get3A_186 : vector<1x1x16xf32> to vector<16xf32>
        %add3A_188 = arith.addf %while3A_150, %get3A_187 : vector<16xf32>
        %get3A_189 = arith.index_cast %while3A_144 : i32 to index
        %get3A_190 = arith.index_cast %scan3A_85 : i32 to index
        %get3A_191 = arith.constant 96 : index
        %get3A_192 = tpu.vector_load %arg6[%get3A_189, %get3A_190, %get3A_191] {strides = array<i32>} : memref<30x8x128xf32, #tpu.memory_space<vmem>>, vector<1x1x16xf32>,
        %get3A_193 = vector.shape_cast %get3A_192 : vector<1x1x16xf32> to vector<16xf32>
        %add3A_194 = arith.addf %while3A_151, %get3A_193 : vector<16xf32>
        %get3A_195 = arith.index_cast %while3A_144 : i32 to index
        %get3A_196 = arith.index_cast %scan3A_85 : i32 to index
        %get3A_197 = arith.constant 112 : index
        %get3A_198 = tpu.vector_load %arg6[%get3A_195, %get3A_196, %get3A_197] {strides = array<i32>} : memref<30x8x128xf32, #tpu.memory_space<vmem>>, vector<1x1x16xf32>,
        %get3A_199 = vector.shape_cast %get3A_198 : vector<1x1x16xf32> to vector<16xf32>
        %add3A_200 = arith.addf %while3A_152, %get3A_199 : vector<16xf32>
        scf.yield %add3A_158, %add3A_164, %add3A_170, %add3A_176, %add3A_182, %add3A_188, %add3A_194, %add3A_200 : vector<16xf32>, vector<16xf32>, vector<16xf32>, vector<16xf32>, vector<16xf32>, vector<16xf32>, vector<16xf32>, vector<16xf32>
      }
      %swap3A = arith.index_cast %scan3A_85 : i32 to index
      %swap3A_104 = arith.constant 0 : index
      %swap3A_105 = tpu.vector_load %arg7[%swap3A, %swap3A_104] {strides = array<i32>} : memref<8x128xf32, #tpu.memory_space<vmem>>, vector<1x16xf32>,
      %swap3A_106 = vector.shape_cast %swap3A_105 : vector<1x16xf32> to vector<16xf32>
      %swap3A_107 = vector.shape_cast %while3A_103#0 : vector<16xf32> to vector<1x16xf32>
      tpu.vector_store %arg7[%swap3A, %swap3A_104], %swap3A_107 {strides = array<i32>} : memref<8x128xf32, #tpu.memory_space<vmem>>, vector<1x16xf32>,
      %swap3A_108 = arith.index_cast %scan3A_85 : i32 to index
      %swap3A_109 = arith.constant 16 : index
      %swap3A_110 = tpu.vector_load %arg7[%swap3A_108, %swap3A_109] {strides = array<i32>} : memref<8x128xf32, #tpu.memory_space<vmem>>, vector<1x16xf32>,
      %swap3A_111 = vector.shape_cast %swap3A_110 : vector<1x16xf32> to vector<16xf32>
      %swap3A_112 = vector.shape_cast %while3A_103#1 : vector<16xf32> to vector<1x16xf32>
      tpu.vector_store %arg7[%swap3A_108, %swap3A_109], %swap3A_112 {strides = array<i32>} : memref<8x128xf32, #tpu.memory_space<vmem>>, vector<1x16xf32>,
      %swap3A_113 = arith.index_cast %scan3A_85 : i32 to index
      %swap3A_114 = arith.constant 32 : index
      %swap3A_115 = tpu.vector_load %arg7[%swap3A_113, %swap3A_114] {strides = array<i32>} : memref<8x128xf32, #tpu.memory_space<vmem>>, vector<1x16xf32>,
      %swap3A_116 = vector.shape_cast %swap3A_115 : vector<1x16xf32> to vector<16xf32>
      %swap3A_117 = vector.shape_cast %while3A_103#2 : vector<16xf32> to vector<1x16xf32>
      tpu.vector_store %arg7[%swap3A_113, %swap3A_114], %swap3A_117 {strides = array<i32>} : memref<8x128xf32, #tpu.memory_space<vmem>>, vector<1x16xf32>,
      %swap3A_118 = arith.index_cast %scan3A_85 : i32 to index
      %swap3A_119 = arith.constant 48 : index
      %swap3A_120 = tpu.vector_load %arg7[%swap3A_118, %swap3A_119] {strides = array<i32>} : memref<8x128xf32, #tpu.memory_space<vmem>>, vector<1x16xf32>,
      %swap3A_121 = vector.shape_cast %swap3A_120 : vector<1x16xf32> to vector<16xf32>
      %swap3A_122 = vector.shape_cast %while3A_103#3 : vector<16xf32> to vector<1x16xf32>
      tpu.vector_store %arg7[%swap3A_118, %swap3A_119], %swap3A_122 {strides = array<i32>} : memref<8x128xf32, #tpu.memory_space<vmem>>, vector<1x16xf32>,
      %swap3A_123 = arith.index_cast %scan3A_85 : i32 to index
      %swap3A_124 = arith.constant 64 : index
      %swap3A_125 = tpu.vector_load %arg7[%swap3A_123, %swap3A_124] {strides = array<i32>} : memref<8x128xf32, #tpu.memory_space<vmem>>, vector<1x16xf32>,
      %swap3A_126 = vector.shape_cast %swap3A_125 : vector<1x16xf32> to vector<16xf32>
      %swap3A_127 = vector.shape_cast %while3A_103#4 : vector<16xf32> to vector<1x16xf32>
      tpu.vector_store %arg7[%swap3A_123, %swap3A_124], %swap3A_127 {strides = array<i32>} : memref<8x128xf32, #tpu.memory_space<vmem>>, vector<1x16xf32>,
      %swap3A_128 = arith.index_cast %scan3A_85 : i32 to index
      %swap3A_129 = arith.constant 80 : index
      %swap3A_130 = tpu.vector_load %arg7[%swap3A_128, %swap3A_129] {strides = array<i32>} : memref<8x128xf32, #tpu.memory_space<vmem>>, vector<1x16xf32>,
      %swap3A_131 = vector.shape_cast %swap3A_130 : vector<1x16xf32> to vector<16xf32>
      %swap3A_132 = vector.shape_cast %while3A_103#5 : vector<16xf32> to vector<1x16xf32>
      tpu.vector_store %arg7[%swap3A_128, %swap3A_129], %swap3A_132 {strides = array<i32>} : memref<8x128xf32, #tpu.memory_space<vmem>>, vector<1x16xf32>,
      %swap3A_133 = arith.index_cast %scan3A_85 : i32 to index
      %swap3A_134 = arith.constant 96 : index
      %swap3A_135 = tpu.vector_load %arg7[%swap3A_133, %swap3A_134] {strides = array<i32>} : memref<8x128xf32, #tpu.memory_space<vmem>>, vector<1x16xf32>,
      %swap3A_136 = vector.shape_cast %swap3A_135 : vector<1x16xf32> to vector<16xf32>
      %swap3A_137 = vector.shape_cast %while3A_103#6 : vector<16xf32> to vector<1x16xf32>
      tpu.vector_store %arg7[%swap3A_133, %swap3A_134], %swap3A_137 {strides = array<i32>} : memref<8x128xf32, #tpu.memory_space<vmem>>, vector<1x16xf32>,
      %swap3A_138 = arith.index_cast %scan3A_85 : i32 to index
      %swap3A_139 = arith.constant 112 : index
      %swap3A_140 = tpu.vector_load %arg7[%swap3A_138, %swap3A_139] {strides = array<i32>} : memref<8x128xf32, #tpu.memory_space<vmem>>, vector<1x16xf32>,
      %swap3A_141 = vector.shape_cast %swap3A_140 : vector<1x16xf32> to vector<16xf32>
      %swap3A_142 = vector.shape_cast %while3A_103#7 : vector<16xf32> to vector<1x16xf32>
      tpu.vector_store %arg7[%swap3A_138, %swap3A_139], %swap3A_142 {strides = array<i32>} : memref<8x128xf32, #tpu.memory_space<vmem>>, vector<1x16xf32>,
      %scan3A_143 = arith.constant 0 : i32
      scf.yield %scan3A_143 : i32
    }
    %scan3A_63 = arith.constant 8 : i32
    %dma_wait3A_64 = arith.constant 15 : i32
    %dma_wait3A_65 = arith.constant 0 : i32
    %dma_wait3A_66 = arith.constant 0 : i32
    %dma_wait3A_67 = tpu.memref_slice %arg6[%dma_wait3A_64, %dma_wait3A_65, %dma_wait3A_66] : memref<30x8x128xf32, #tpu.memory_space<vmem>> -> memref<15x8x128xf32, #tpu.memory_space<vmem>>
    %dma_wait3A_68 = arith.constant 15 : i32
    %dma_wait3A_69 = arith.constant 0 : i32
    %dma_wait3A_70 = tpu.memref_slice %arg2[%dma_wait3A_68, %mul3A_2, %dma_wait3A_69] : memref<50x256x128xf32, #tpu.memory_space<hbm>> -> memref<15x8x128xf32, #tpu.memory_space<hbm>>
    %dma_wait3A_71 = arith.constant 15 : i32
    %dma_wait3A_72 = arith.constant 0 : i32
    %dma_wait3A_73 = arith.constant 0 : i32
    %dma_wait3A_74 = tpu.memref_slice %arg6[%dma_wait3A_71, %dma_wait3A_72, %dma_wait3A_73] : memref<30x8x128xf32, #tpu.memory_space<vmem>> -> memref<15x8x128xf32, #tpu.memory_space<vmem>>
    %dma_wait3A_75 = arith.constant 15 : i32
    %dma_wait3A_76 = arith.constant 0 : i32
    %dma_wait3A_77 = tpu.memref_slice %arg2[%dma_wait3A_75, %mul3A_2, %dma_wait3A_76] : memref<50x256x128xf32, #tpu.memory_space<hbm>> -> memref<15x8x128xf32, #tpu.memory_space<hbm>>
    tpu.wait_dma2 semaphore(%arg8 : memref<!tpu.dma_semaphore, #tpu.memory_space<semaphore_mem>>) src(%dma_wait3A_77 : memref<15x8x128xf32, #tpu.memory_space<hbm>>) dst(%dma_wait3A_74 : memref<15x8x128xf32, #tpu.memory_space<vmem>>)
    %scan3A_78 = arith.constant 0 : i32
    %scan3A_79 = arith.constant 0 : i32
    %scan3A_80 = arith.constant 8 : i32
    %scan3A_81 = arith.addi %scan3A_79, %scan3A_80 : i32
    %scan3A_82 = arith.constant 1 : i32
    %scan3A_83 = scf.for %scan3A_85 = %scan3A_79 to %scan3A_81 step %scan3A_82 iter_args(%scan3A_86 = %scan3A_78) -> (i32)  : i32 {
      %add3A_87 = arith.addi %mul3A_2, %scan3A_85 : i32
      %get3A = arith.index_cast %add3A_87 : i32 to index
      %get3A_88 = tpu.vector_load %arg5[%get3A] {strides = array<i32>} : memref<272xi32, #tpu.memory_space<vmem>>, vector<16xi32>,
      %get3A_89 = vector.shape_cast %get3A_88 : vector<16xi32> to vector<16xi32>
      %slice3A = vector.extract_strided_slice %get3A_89 {offsets = [0], sizes = [1], strides = [1]} : vector<16xi32> to vector<1xi32>
      %squeeze3A = vector.extract %slice3A[0] : i32 from vector<1xi32>
      %min3A = arith.constant 30 : i32
      %min3A_90 = arith.minsi %squeeze3A, %min3A : i32
      %min3A_91 = arith.constant 30 : i32
      %min3A_92 = arith.minsi %min3A_90, %min3A_91 : i32
      %max3A = arith.constant 15 : i32
      %max3A_93 = arith.maxsi %min3A_92, %max3A : i32
      %get3A_94 = arith.index_cast %scan3A_85 : i32 to index
      %get3A_95 = arith.constant 0 : index
      %get3A_96 = tpu.vector_load %arg7[%get3A_94, %get3A_95] {strides = array<i32>} : memref<8x128xf32, #tpu.memory_space<vmem>>, vector<1x16xf32>,
      %get3A_97 = vector.shape_cast %get3A_96 : vector<1x16xf32> to vector<16xf32>
      %get3A_98 = arith.index_cast %scan3A_85 : i32 to index
      %get3A_99 = arith.constant 16 : index
      %get3A_100 = tpu.vector_load %arg7[%get3A_98, %get3A_99] {strides = array<i32>} : memref<8x128xf32, #tpu.memory_space<vmem>>, vector<1x16xf32>,
      %get3A_101 = vector.shape_cast %get3A_100 : vector<1x16xf32> to vector<16xf32>
      %get3A_102 = arith.index_cast %scan3A_85 : i32 to index
      %get3A_103 = arith.constant 32 : index
      %get3A_104 = tpu.vector_load %arg7[%get3A_102, %get3A_103] {strides = array<i32>} : memref<8x128xf32, #tpu.memory_space<vmem>>, vector<1x16xf32>,
      %get3A_105 = vector.shape_cast %get3A_104 : vector<1x16xf32> to vector<16xf32>
      %get3A_106 = arith.index_cast %scan3A_85 : i32 to index
      %get3A_107 = arith.constant 48 : index
      %get3A_108 = tpu.vector_load %arg7[%get3A_106, %get3A_107] {strides = array<i32>} : memref<8x128xf32, #tpu.memory_space<vmem>>, vector<1x16xf32>,
      %get3A_109 = vector.shape_cast %get3A_108 : vector<1x16xf32> to vector<16xf32>
      %get3A_110 = arith.index_cast %scan3A_85 : i32 to index
      %get3A_111 = arith.constant 64 : index
      %get3A_112 = tpu.vector_load %arg7[%get3A_110, %get3A_111] {strides = array<i32>} : memref<8x128xf32, #tpu.memory_space<vmem>>, vector<1x16xf32>,
      %get3A_113 = vector.shape_cast %get3A_112 : vector<1x16xf32> to vector<16xf32>
      %get3A_114 = arith.index_cast %scan3A_85 : i32 to index
      %get3A_115 = arith.constant 80 : index
      %get3A_116 = tpu.vector_load %arg7[%get3A_114, %get3A_115] {strides = array<i32>} : memref<8x128xf32, #tpu.memory_space<vmem>>, vector<1x16xf32>,
      %get3A_117 = vector.shape_cast %get3A_116 : vector<1x16xf32> to vector<16xf32>
      %get3A_118 = arith.index_cast %scan3A_85 : i32 to index
      %get3A_119 = arith.constant 96 : index
      %get3A_120 = tpu.vector_load %arg7[%get3A_118, %get3A_119] {strides = array<i32>} : memref<8x128xf32, #tpu.memory_space<vmem>>, vector<1x16xf32>,
      %get3A_121 = vector.shape_cast %get3A_120 : vector<1x16xf32> to vector<16xf32>
      %get3A_122 = arith.index_cast %scan3A_85 : i32 to index
      %get3A_123 = arith.constant 112 : index
      %get3A_124 = tpu.vector_load %arg7[%get3A_122, %get3A_123] {strides = array<i32>} : memref<8x128xf32, #tpu.memory_space<vmem>>, vector<1x16xf32>,
      %get3A_125 = vector.shape_cast %get3A_124 : vector<1x16xf32> to vector<16xf32>
      %while3A = arith.constant 15 : i32
      %while3A_126 = arith.subi %max3A_93, %while3A : i32
      %while3A_127 = arith.addi %while3A, %while3A_126 : i32
      %while3A_128 = arith.constant 1 : i32
      %while3A_129 = arith.divsi %while3A_126, %while3A_128 : i32
      %while3A_130 = arith.muli %while3A_129, %while3A_128 : i32
      %while3A_131 = arith.addi %while3A, %while3A_130 : i32
      %while3A_132 = arith.constant 1 : i32
      %while3A_133:8 = scf.for %while3A_201 = %while3A to %while3A_131 step %while3A_132 iter_args(%while3A_202 = %get3A_97, %while3A_203 = %get3A_101, %while3A_204 = %get3A_105, %while3A_205 = %get3A_109, %while3A_206 = %get3A_113, %while3A_207 = %get3A_117, %while3A_208 = %get3A_121, %while3A_209 = %get3A_125) -> (vector<16xf32>, vector<16xf32>, vector<16xf32>, vector<16xf32>, vector<16xf32>, vector<16xf32>, vector<16xf32>, vector<16xf32>)  : i32 {
        %get3A_210 = arith.index_cast %while3A_201 : i32 to index
        %get3A_211 = arith.index_cast %scan3A_85 : i32 to index
        %get3A_212 = arith.constant 0 : index
        %get3A_213 = tpu.vector_load %arg6[%get3A_210, %get3A_211, %get3A_212] {strides = array<i32>} : memref<30x8x128xf32, #tpu.memory_space<vmem>>, vector<1x1x16xf32>,
        %get3A_214 = vector.shape_cast %get3A_213 : vector<1x1x16xf32> to vector<16xf32>
        %add3A_215 = arith.addf %while3A_202, %get3A_214 : vector<16xf32>
        %get3A_216 = arith.index_cast %while3A_201 : i32 to index
        %get3A_217 = arith.index_cast %scan3A_85 : i32 to index
        %get3A_218 = arith.constant 16 : index
        %get3A_219 = tpu.vector_load %arg6[%get3A_216, %get3A_217, %get3A_218] {strides = array<i32>} : memref<30x8x128xf32, #tpu.memory_space<vmem>>, vector<1x1x16xf32>,
        %get3A_220 = vector.shape_cast %get3A_219 : vector<1x1x16xf32> to vector<16xf32>
        %add3A_221 = arith.addf %while3A_203, %get3A_220 : vector<16xf32>
        %get3A_222 = arith.index_cast %while3A_201 : i32 to index
        %get3A_223 = arith.index_cast %scan3A_85 : i32 to index
        %get3A_224 = arith.constant 32 : index
        %get3A_225 = tpu.vector_load %arg6[%get3A_222, %get3A_223, %get3A_224] {strides = array<i32>} : memref<30x8x128xf32, #tpu.memory_space<vmem>>, vector<1x1x16xf32>,
        %get3A_226 = vector.shape_cast %get3A_225 : vector<1x1x16xf32> to vector<16xf32>
        %add3A_227 = arith.addf %while3A_204, %get3A_226 : vector<16xf32>
        %get3A_228 = arith.index_cast %while3A_201 : i32 to index
        %get3A_229 = arith.index_cast %scan3A_85 : i32 to index
        %get3A_230 = arith.constant 48 : index
        %get3A_231 = tpu.vector_load %arg6[%get3A_228, %get3A_229, %get3A_230] {strides = array<i32>} : memref<30x8x128xf32, #tpu.memory_space<vmem>>, vector<1x1x16xf32>,
        %get3A_232 = vector.shape_cast %get3A_231 : vector<1x1x16xf32> to vector<16xf32>
        %add3A_233 = arith.addf %while3A_205, %get3A_232 : vector<16xf32>
        %get3A_234 = arith.index_cast %while3A_201 : i32 to index
        %get3A_235 = arith.index_cast %scan3A_85 : i32 to index
        %get3A_236 = arith.constant 64 : index
        %get3A_237 = tpu.vector_load %arg6[%get3A_234, %get3A_235, %get3A_236] {strides = array<i32>} : memref<30x8x128xf32, #tpu.memory_space<vmem>>, vector<1x1x16xf32>,
        %get3A_238 = vector.shape_cast %get3A_237 : vector<1x1x16xf32> to vector<16xf32>
        %add3A_239 = arith.addf %while3A_206, %get3A_238 : vector<16xf32>
        %get3A_240 = arith.index_cast %while3A_201 : i32 to index
        %get3A_241 = arith.index_cast %scan3A_85 : i32 to index
        %get3A_242 = arith.constant 80 : index
        %get3A_243 = tpu.vector_load %arg6[%get3A_240, %get3A_241, %get3A_242] {strides = array<i32>} : memref<30x8x128xf32, #tpu.memory_space<vmem>>, vector<1x1x16xf32>,
        %get3A_244 = vector.shape_cast %get3A_243 : vector<1x1x16xf32> to vector<16xf32>
        %add3A_245 = arith.addf %while3A_207, %get3A_244 : vector<16xf32>
        %get3A_246 = arith.index_cast %while3A_201 : i32 to index
        %get3A_247 = arith.index_cast %scan3A_85 : i32 to index
        %get3A_248 = arith.constant 96 : index
        %get3A_249 = tpu.vector_load %arg6[%get3A_246, %get3A_247, %get3A_248] {strides = array<i32>} : memref<30x8x128xf32, #tpu.memory_space<vmem>>, vector<1x1x16xf32>,
        %get3A_250 = vector.shape_cast %get3A_249 : vector<1x1x16xf32> to vector<16xf32>
        %add3A_251 = arith.addf %while3A_208, %get3A_250 : vector<16xf32>
        %get3A_252 = arith.index_cast %while3A_201 : i32 to index
        %get3A_253 = arith.index_cast %scan3A_85 : i32 to index
        %get3A_254 = arith.constant 112 : index
        %get3A_255 = tpu.vector_load %arg6[%get3A_252, %get3A_253, %get3A_254] {strides = array<i32>} : memref<30x8x128xf32, #tpu.memory_space<vmem>>, vector<1x1x16xf32>,
        %get3A_256 = vector.shape_cast %get3A_255 : vector<1x1x16xf32> to vector<16xf32>
        %add3A_257 = arith.addf %while3A_209, %get3A_256 : vector<16xf32>
        scf.yield %add3A_215, %add3A_221, %add3A_227, %add3A_233, %add3A_239, %add3A_245, %add3A_251, %add3A_257 : vector<16xf32>, vector<16xf32>, vector<16xf32>, vector<16xf32>, vector<16xf32>, vector<16xf32>, vector<16xf32>, vector<16xf32>
      }
      %while3A_134 = arith.constant 1 : i32
      %while3A_135:8 = scf.for %while3A_201 = %while3A_131 to %while3A_127 step %while3A_134 iter_args(%while3A_202 = %while3A_133#0, %while3A_203 = %while3A_133#1, %while3A_204 = %while3A_133#2, %while3A_205 = %while3A_133#3, %while3A_206 = %while3A_133#4, %while3A_207 = %while3A_133#5, %while3A_208 = %while3A_133#6, %while3A_209 = %while3A_133#7) -> (vector<16xf32>, vector<16xf32>, vector<16xf32>, vector<16xf32>, vector<16xf32>, vector<16xf32>, vector<16xf32>, vector<16xf32>)  : i32 {
        %get3A_210 = arith.index_cast %while3A_201 : i32 to index
        %get3A_211 = arith.index_cast %scan3A_85 : i32 to index
        %get3A_212 = arith.constant 0 : index
        %get3A_213 = tpu.vector_load %arg6[%get3A_210, %get3A_211, %get3A_212] {strides = array<i32>} : memref<30x8x128xf32, #tpu.memory_space<vmem>>, vector<1x1x16xf32>,
        %get3A_214 = vector.shape_cast %get3A_213 : vector<1x1x16xf32> to vector<16xf32>
        %add3A_215 = arith.addf %while3A_202, %get3A_214 : vector<16xf32>
        %get3A_216 = arith.index_cast %while3A_201 : i32 to index
        %get3A_217 = arith.index_cast %scan3A_85 : i32 to index
        %get3A_218 = arith.constant 16 : index
        %get3A_219 = tpu.vector_load %arg6[%get3A_216, %get3A_217, %get3A_218] {strides = array<i32>} : memref<30x8x128xf32, #tpu.memory_space<vmem>>, vector<1x1x16xf32>,
        %get3A_220 = vector.shape_cast %get3A_219 : vector<1x1x16xf32> to vector<16xf32>
        %add3A_221 = arith.addf %while3A_203, %get3A_220 : vector<16xf32>
        %get3A_222 = arith.index_cast %while3A_201 : i32 to index
        %get3A_223 = arith.index_cast %scan3A_85 : i32 to index
        %get3A_224 = arith.constant 32 : index
        %get3A_225 = tpu.vector_load %arg6[%get3A_222, %get3A_223, %get3A_224] {strides = array<i32>} : memref<30x8x128xf32, #tpu.memory_space<vmem>>, vector<1x1x16xf32>,
        %get3A_226 = vector.shape_cast %get3A_225 : vector<1x1x16xf32> to vector<16xf32>
        %add3A_227 = arith.addf %while3A_204, %get3A_226 : vector<16xf32>
        %get3A_228 = arith.index_cast %while3A_201 : i32 to index
        %get3A_229 = arith.index_cast %scan3A_85 : i32 to index
        %get3A_230 = arith.constant 48 : index
        %get3A_231 = tpu.vector_load %arg6[%get3A_228, %get3A_229, %get3A_230] {strides = array<i32>} : memref<30x8x128xf32, #tpu.memory_space<vmem>>, vector<1x1x16xf32>,
        %get3A_232 = vector.shape_cast %get3A_231 : vector<1x1x16xf32> to vector<16xf32>
        %add3A_233 = arith.addf %while3A_205, %get3A_232 : vector<16xf32>
        %get3A_234 = arith.index_cast %while3A_201 : i32 to index
        %get3A_235 = arith.index_cast %scan3A_85 : i32 to index
        %get3A_236 = arith.constant 64 : index
        %get3A_237 = tpu.vector_load %arg6[%get3A_234, %get3A_235, %get3A_236] {strides = array<i32>} : memref<30x8x128xf32, #tpu.memory_space<vmem>>, vector<1x1x16xf32>,
        %get3A_238 = vector.shape_cast %get3A_237 : vector<1x1x16xf32> to vector<16xf32>
        %add3A_239 = arith.addf %while3A_206, %get3A_238 : vector<16xf32>
        %get3A_240 = arith.index_cast %while3A_201 : i32 to index
        %get3A_241 = arith.index_cast %scan3A_85 : i32 to index
        %get3A_242 = arith.constant 80 : index
        %get3A_243 = tpu.vector_load %arg6[%get3A_240, %get3A_241, %get3A_242] {strides = array<i32>} : memref<30x8x128xf32, #tpu.memory_space<vmem>>, vector<1x1x16xf32>,
        %get3A_244 = vector.shape_cast %get3A_243 : vector<1x1x16xf32> to vector<16xf32>
        %add3A_245 = arith.addf %while3A_207, %get3A_244 : vector<16xf32>
        %get3A_246 = arith.index_cast %while3A_201 : i32 to index
        %get3A_247 = arith.index_cast %scan3A_85 : i32 to index
        %get3A_248 = arith.constant 96 : index
        %get3A_249 = tpu.vector_load %arg6[%get3A_246, %get3A_247, %get3A_248] {strides = array<i32>} : memref<30x8x128xf32, #tpu.memory_space<vmem>>, vector<1x1x16xf32>,
        %get3A_250 = vector.shape_cast %get3A_249 : vector<1x1x16xf32> to vector<16xf32>
        %add3A_251 = arith.addf %while3A_208, %get3A_250 : vector<16xf32>
        %get3A_252 = arith.index_cast %while3A_201 : i32 to index
        %get3A_253 = arith.index_cast %scan3A_85 : i32 to index
        %get3A_254 = arith.constant 112 : index
        %get3A_255 = tpu.vector_load %arg6[%get3A_252, %get3A_253, %get3A_254] {strides = array<i32>} : memref<30x8x128xf32, #tpu.memory_space<vmem>>, vector<1x1x16xf32>,
        %get3A_256 = vector.shape_cast %get3A_255 : vector<1x1x16xf32> to vector<16xf32>
        %add3A_257 = arith.addf %while3A_209, %get3A_256 : vector<16xf32>
        scf.yield %add3A_215, %add3A_221, %add3A_227, %add3A_233, %add3A_239, %add3A_245, %add3A_251, %add3A_257 : vector<16xf32>, vector<16xf32>, vector<16xf32>, vector<16xf32>, vector<16xf32>, vector<16xf32>, vector<16xf32>, vector<16xf32>
      }
      %max3A_136 = arith.constant 1 : i32
      %max3A_137 = arith.maxsi %min3A_90, %max3A_136 : i32
      %convert_element_type3A = arith.sitofp %max3A_137 : i32 to f32
      %broadcast_in_dim3A_138 = vector.broadcast %convert_element_type3A : f32 to vector<16xf32>
      %bitcast_convert_type3A = tpu.bitcast %broadcast_in_dim3A_138 : vector<16xf32> -> vector<16xi32>
      %sub3A = arith.constant 2129859011 : i32
      %sub3A_139 = vector.broadcast %sub3A : i32 to vector<16xi32>
      %sub3A_140 = arith.subi %sub3A_139, %bitcast_convert_type3A : vector<16xi32>
      %bitcast_convert_type3A_141 = tpu.bitcast %sub3A_140 : vector<16xi32> -> vector<16xf32>
      %broadcast_in_dim3A_142 = arith.constant 2.000000e+00 : f32
      %broadcast_in_dim3A_143 = vector.broadcast %broadcast_in_dim3A_142 : f32 to vector<16xf32>
      %mul3A_144 = arith.mulf %broadcast_in_dim3A_138, %bitcast_convert_type3A_141 : vector<16xf32>
      %sub3A_145 = arith.subf %broadcast_in_dim3A_143, %mul3A_144 : vector<16xf32>
      %mul3A_146 = arith.mulf %bitcast_convert_type3A_141, %sub3A_145 : vector<16xf32>
      %mul3A_147 = arith.mulf %broadcast_in_dim3A_138, %mul3A_146 : vector<16xf32>
      %sub3A_148 = arith.subf %broadcast_in_dim3A_143, %mul3A_147 : vector<16xf32>
      %mul3A_149 = arith.mulf %mul3A_146, %sub3A_148 : vector<16xf32>
      %mul3A_150 = arith.mulf %broadcast_in_dim3A_138, %mul3A_149 : vector<16xf32>
      %sub3A_151 = arith.subf %broadcast_in_dim3A_143, %mul3A_150 : vector<16xf32>
      %mul3A_152 = arith.mulf %mul3A_149, %sub3A_151 : vector<16xf32>
      %mul3A_153 = arith.mulf %while3A_135#0, %mul3A_152 : vector<16xf32>
      %mul3A_154 = arith.mulf %while3A_135#1, %mul3A_152 : vector<16xf32>
      %mul3A_155 = arith.mulf %while3A_135#2, %mul3A_152 : vector<16xf32>
      %mul3A_156 = arith.mulf %while3A_135#3, %mul3A_152 : vector<16xf32>
      %mul3A_157 = arith.mulf %while3A_135#4, %mul3A_152 : vector<16xf32>
      %mul3A_158 = arith.mulf %while3A_135#5, %mul3A_152 : vector<16xf32>
      %mul3A_159 = arith.mulf %while3A_135#6, %mul3A_152 : vector<16xf32>
      %mul3A_160 = arith.mulf %while3A_135#7, %mul3A_152 : vector<16xf32>
      %swap3A = arith.index_cast %scan3A_85 : i32 to index
      %swap3A_161 = arith.constant 0 : index
      %swap3A_162 = tpu.vector_load %arg7[%swap3A, %swap3A_161] {strides = array<i32>} : memref<8x128xf32, #tpu.memory_space<vmem>>, vector<1x16xf32>,
      %swap3A_163 = vector.shape_cast %swap3A_162 : vector<1x16xf32> to vector<16xf32>
      %swap3A_164 = vector.shape_cast %mul3A_153 : vector<16xf32> to vector<1x16xf32>
      tpu.vector_store %arg7[%swap3A, %swap3A_161], %swap3A_164 {strides = array<i32>} : memref<8x128xf32, #tpu.memory_space<vmem>>, vector<1x16xf32>,
      %swap3A_165 = arith.index_cast %scan3A_85 : i32 to index
      %swap3A_166 = arith.constant 16 : index
      %swap3A_167 = tpu.vector_load %arg7[%swap3A_165, %swap3A_166] {strides = array<i32>} : memref<8x128xf32, #tpu.memory_space<vmem>>, vector<1x16xf32>,
      %swap3A_168 = vector.shape_cast %swap3A_167 : vector<1x16xf32> to vector<16xf32>
      %swap3A_169 = vector.shape_cast %mul3A_154 : vector<16xf32> to vector<1x16xf32>
      tpu.vector_store %arg7[%swap3A_165, %swap3A_166], %swap3A_169 {strides = array<i32>} : memref<8x128xf32, #tpu.memory_space<vmem>>, vector<1x16xf32>,
      %swap3A_170 = arith.index_cast %scan3A_85 : i32 to index
      %swap3A_171 = arith.constant 32 : index
      %swap3A_172 = tpu.vector_load %arg7[%swap3A_170, %swap3A_171] {strides = array<i32>} : memref<8x128xf32, #tpu.memory_space<vmem>>, vector<1x16xf32>,
      %swap3A_173 = vector.shape_cast %swap3A_172 : vector<1x16xf32> to vector<16xf32>
      %swap3A_174 = vector.shape_cast %mul3A_155 : vector<16xf32> to vector<1x16xf32>
      tpu.vector_store %arg7[%swap3A_170, %swap3A_171], %swap3A_174 {strides = array<i32>} : memref<8x128xf32, #tpu.memory_space<vmem>>, vector<1x16xf32>,
      %swap3A_175 = arith.index_cast %scan3A_85 : i32 to index
      %swap3A_176 = arith.constant 48 : index
      %swap3A_177 = tpu.vector_load %arg7[%swap3A_175, %swap3A_176] {strides = array<i32>} : memref<8x128xf32, #tpu.memory_space<vmem>>, vector<1x16xf32>,
      %swap3A_178 = vector.shape_cast %swap3A_177 : vector<1x16xf32> to vector<16xf32>
      %swap3A_179 = vector.shape_cast %mul3A_156 : vector<16xf32> to vector<1x16xf32>
      tpu.vector_store %arg7[%swap3A_175, %swap3A_176], %swap3A_179 {strides = array<i32>} : memref<8x128xf32, #tpu.memory_space<vmem>>, vector<1x16xf32>,
      %swap3A_180 = arith.index_cast %scan3A_85 : i32 to index
      %swap3A_181 = arith.constant 64 : index
      %swap3A_182 = tpu.vector_load %arg7[%swap3A_180, %swap3A_181] {strides = array<i32>} : memref<8x128xf32, #tpu.memory_space<vmem>>, vector<1x16xf32>,
      %swap3A_183 = vector.shape_cast %swap3A_182 : vector<1x16xf32> to vector<16xf32>
      %swap3A_184 = vector.shape_cast %mul3A_157 : vector<16xf32> to vector<1x16xf32>
      tpu.vector_store %arg7[%swap3A_180, %swap3A_181], %swap3A_184 {strides = array<i32>} : memref<8x128xf32, #tpu.memory_space<vmem>>, vector<1x16xf32>,
      %swap3A_185 = arith.index_cast %scan3A_85 : i32 to index
      %swap3A_186 = arith.constant 80 : index
      %swap3A_187 = tpu.vector_load %arg7[%swap3A_185, %swap3A_186] {strides = array<i32>} : memref<8x128xf32, #tpu.memory_space<vmem>>, vector<1x16xf32>,
      %swap3A_188 = vector.shape_cast %swap3A_187 : vector<1x16xf32> to vector<16xf32>
      %swap3A_189 = vector.shape_cast %mul3A_158 : vector<16xf32> to vector<1x16xf32>
      tpu.vector_store %arg7[%swap3A_185, %swap3A_186], %swap3A_189 {strides = array<i32>} : memref<8x128xf32, #tpu.memory_space<vmem>>, vector<1x16xf32>,
      %swap3A_190 = arith.index_cast %scan3A_85 : i32 to index
      %swap3A_191 = arith.constant 96 : index
      %swap3A_192 = tpu.vector_load %arg7[%swap3A_190, %swap3A_191] {strides = array<i32>} : memref<8x128xf32, #tpu.memory_space<vmem>>, vector<1x16xf32>,
      %swap3A_193 = vector.shape_cast %swap3A_192 : vector<1x16xf32> to vector<16xf32>
      %swap3A_194 = vector.shape_cast %mul3A_159 : vector<16xf32> to vector<1x16xf32>
      tpu.vector_store %arg7[%swap3A_190, %swap3A_191], %swap3A_194 {strides = array<i32>} : memref<8x128xf32, #tpu.memory_space<vmem>>, vector<1x16xf32>,
      %swap3A_195 = arith.index_cast %scan3A_85 : i32 to index
      %swap3A_196 = arith.constant 112 : index
      %swap3A_197 = tpu.vector_load %arg7[%swap3A_195, %swap3A_196] {strides = array<i32>} : memref<8x128xf32, #tpu.memory_space<vmem>>, vector<1x16xf32>,
      %swap3A_198 = vector.shape_cast %swap3A_197 : vector<1x16xf32> to vector<16xf32>
      %swap3A_199 = vector.shape_cast %mul3A_160 : vector<16xf32> to vector<1x16xf32>
      tpu.vector_store %arg7[%swap3A_195, %swap3A_196], %swap3A_199 {strides = array<i32>} : memref<8x128xf32, #tpu.memory_space<vmem>>, vector<1x16xf32>,
      %scan3A_200 = arith.constant 0 : i32
      scf.yield %scan3A_200 : i32
    }
    %scan3A_84 = arith.constant 8 : i32
    "tpu.region"() ({
      %run_scoped3A = tpu.sem_alloc : memref<!tpu.dma_semaphore, #tpu.memory_space<semaphore_mem>>
      %dma_start3A_85 = arith.constant 0 : i32
      %dma_start3A_86 = tpu.memref_slice %arg4[%mul3A_2, %dma_start3A_85] : memref<256x128xf32, #tpu.memory_space<hbm>> -> memref<8x128xf32, #tpu.memory_space<hbm>>
      %dma_start3A_87 = arith.constant 0 : i32
      %dma_start3A_88 = tpu.memref_slice %arg4[%mul3A_2, %dma_start3A_87] : memref<256x128xf32, #tpu.memory_space<hbm>> -> memref<8x128xf32, #tpu.memory_space<hbm>>
      tpu.enqueue_dma source(%arg7 : memref<8x128xf32, #tpu.memory_space<vmem>>) target(%dma_start3A_88 : memref<8x128xf32, #tpu.memory_space<hbm>>) target_semaphore(%run_scoped3A : memref<!tpu.dma_semaphore, #tpu.memory_space<semaphore_mem>>)
      %dma_wait3A_89 = arith.constant 0 : i32
      %dma_wait3A_90 = tpu.memref_slice %arg4[%mul3A_2, %dma_wait3A_89] : memref<256x128xf32, #tpu.memory_space<hbm>> -> memref<8x128xf32, #tpu.memory_space<hbm>>
      %dma_wait3A_91 = arith.constant 0 : i32
      %dma_wait3A_92 = tpu.memref_slice %arg4[%mul3A_2, %dma_wait3A_91] : memref<256x128xf32, #tpu.memory_space<hbm>> -> memref<8x128xf32, #tpu.memory_space<hbm>>
      tpu.wait_dma2 semaphore(%run_scoped3A : memref<!tpu.dma_semaphore, #tpu.memory_space<semaphore_mem>>) src(%arg7 : memref<8x128xf32, #tpu.memory_space<vmem>>) dst(%dma_wait3A_92 : memref<8x128xf32, #tpu.memory_space<hbm>>)
      tpu.yield
    }) : () -> ()
    return
  }
}

</mosaic_0001>

<sc_bundles>
// kernel: kernel.3.cloned.1.call-start
scs
__scs_entry_jumppad:
0x0: {  	(pc) =	sbr.rel $0x88, $3  }
0x1: {  	(tag) =	ssettag $0x0;
	lr =	simm.s32 $0x1  }
0x2: {  	[smem:$0x3F9F] =	sst lr;
	_ =	strace $0xD0000000  }
0x3: {  	_ = 	snop  }
0x4: {  	_ = 	snop  }
0x5: {  	_ = 	snop  }
0x6: {  	_ = 	snop  }
0x7: {  	_ = 	snop  }
__scs_overlays_trampoline_lowered:
0x8: {  	[smem:$0x3FAE] =	sst s0  }
0x9: {  	[smem:$0x3FAF] =	sst s1  }
0xa: {  	[smem:$0x3FB0] =	sst s2  }
0xb: {  	[smem:$0x3FB1] =	sst s3  }
0xc: {  	[smem:$0x3FB2] =	sst s4  }
0xd: {  	[smem:$0x3FB3] =	sst s5  }
0xe: {  	[smem:$0x3FB4] =	sst s6  }
0xf: {  	[smem:$0x3FB5] =	sst s7  }
0x10: {  	[smem:$0x3FB6] =	sst s8  }
0x11: {  	[smem:$0x3FB7] =	sst s9;
	s0 =	simm.s32 @!p0 $0x0  }
0x12: {  	s1 =	sld [smem:$0x3F9D];
	s0 =	simm.s32 @p0 $0x1  }
0x13: {  	[smem:$0x3FB8] =	sst s0;
	s0 =	simm.s32 @!p1 $0x0  }
0x14: {  	s2 =	sld [smem:$0x3F9C];
	s0 =	simm.s32 @p1 $0x1  }
0x15: {  	[smem:$0x3FB9] =	sst s0;
	s0 =	simm.s32 @!p2 $0x0  }
0x16: {  	s3 =	sld [smem:$0x3FDB];
	s0 =	simm.s32 @p2 $0x1  }
0x17: {  	s4 =	simm.s32 $0x1BF5;
	[smem:$0x3FBB] =	sst s0  }
0x18: {  	s0 =	sld [smem:$0x3F9E];
	_ =	swait.ge [sflag:s4], $0x0  }
0x19: {  	s7 =	sld [smem:$0x3F9F]  }
0x1a: {  	s8 =	sadd.s32 $0xFFFFE003, lr  }
0x1b: {  	s9 =	sadd.s32 $0xFFFFFEF7, lr;
	s5 =	simm.s32 $0xFFFFFFFF;
	p2 =	slt.u32 s8, $0xFFFFF086  }
0x1c: {  	p1 =	slt.u32 s9, $0xF7A;
	s5 =	simm.s32 @!p2 $0x0  }
0x1d: {  	s5 =	simm.s32 @p1 $0x1;
	p0 =	seq.s32 s7, s2  }
0x1e: {  	s7 =	smul.u32 @!p0 $0xF7A, s2;
	p2 =	seq.s32 @!p0 s5, $0x0  }
0x1f: {  	s9 =	smul.u32 $0xF7A, s1;
	s8 =	simm.s32 @!p0 $0x1BF5;
	p2 =	por !p2, p0  }
0x20: {  	[sflag:s8] =	ssyncset.s32 @!p0 $0xFFFFF086;
	s6 =	sadd.s32 @!p0 s3, s7;
	s7 =	simm.s32 @!p0 $0x108  }
0x21: {  	s3 =	sadd.s32 s3, s9;
	s6 =	sadd.s32 @!p0 $0x88, s6;
	s7 =	simm.s32 @p2 $0x1082  }
0x22: {  	[simem:s7], [sflag:s8] =	dma.local @!p0 [hbm:s6], $0xF7A  }
0x23: {  	s9 =	sor.u32 $0xD0000000, s2;
	s6 =	simm.s32 $0x108;
	_ =	swait.ge @!p0 [sflag:s8], $0x0  }
0x24: {  	s3 =	sadd.s32 $0x88, s3;
	s6 =	simm.s32 @!p1 $0x1082;
	[sflag:s4] =	ssyncset.s32 $0xFFFFF086  }
0x25: {  	[simem:s6], [sflag:s4] =	dma.local [hbm:s3], $0xF7A  }
0x26: {  	[smem:$0x3F9F] =	sst s1;
	(tag) =	ssettag s2;
	_ =	strace s9  }
0x27: {  	s1 =	sld [smem:$0x3FAF]  }
0x28: {  	s2 =	sld [smem:$0x3FB0]  }
0x29: {  	s4 =	sld [smem:$0x3FB2]  }
0x2a: {  	p0 =	seq.s32 s5, $0x0;
	s5 =	sld [smem:$0x3FB3]  }
0x2b: {  	s6 =	sld [smem:$0x3FB4]  }
0x2c: {  	s7 =	sld [smem:$0x3FB5]  }
0x2d: {  	s3 =	simm.s32 $0x108;
	s8 =	sld [smem:$0x3FB6]  }
0x2e: {  	s3 =	simm.s32 @!p0 $0x1082;
	s9 =	sld [smem:$0x3FB7]  }
0x2f: {  	lr =	sadd.s32 s0, s3;
	s0 =	sld [smem:$0x3FAE]  }
0x30: {  	s3 =	sld [smem:$0x3FB1]  }
0x31: {  	[smem:$0x3FBA] =	sst s10  }
0x32: {  	s10 =	sld [smem:$0x3FB8];
	_ =	sdelay $0x3  }
0x33: {  	p0 =	seq.s32 s10, $0x1;
	s10 =	sld [smem:$0x3FBA];
	_ =	sdelay $0x3  }
0x34: {  	[smem:$0x3FBA] =	sst s10  }
0x35: {  	s10 =	sld [smem:$0x3FB9];
	_ =	sdelay $0x3  }
0x36: {  	p1 =	seq.s32 s10, $0x1;
	s10 =	sld [smem:$0x3FBA];
	_ =	sdelay $0x3  }
0x37: {  	[smem:$0x3FBA] =	sst s10  }
0x38: {  	s10 =	sld [smem:$0x3FBB]  }
0x39: {  	_ = 	snop;
	(pc) =	sbr.ind lr, $3  }
0x3a: {  	_ = 	snop  }
0x3b: {  	_ = 	snop  }
0x3c: {  	p2 =	seq.s32 s10, $0x1;
	s10 =	sld [smem:$0x3FBA]  }
0x3d: {  	_ =	shalt  }
0x3e: {  	_ =	shalt  }
0x3f: {  	_ =	shalt  }
0x40: {  	_ =	shalt  }
0x41: {  	_ =	shalt  }
0x42: {  	_ =	shalt  }
0x43: {  	_ =	shalt  }
0x44: {  	_ =	shalt  }
0x45: {  	_ =	shalt  }
0x46: {  	_ =	shalt  }
0x47: {  	_ =	shalt  }
0x48: {  	_ =	shalt  }
0x49: {  	_ =	shalt  }
0x4a: {  	_ =	shalt  }
0x4b: {  	_ =	shalt  }
0x4c: {  	_ =	shalt  }
0x4d: {  	_ =	shalt  }
0x4e: {  	_ =	shalt  }
0x4f: {  	_ =	shalt  }
0x50: {  	_ =	shalt  }
0x51: {  	_ =	shalt  }
0x52: {  	_ =	shalt  }
0x53: {  	_ =	shalt  }
0x54: {  	_ =	shalt  }
0x55: {  	_ =	shalt  }
0x56: {  	_ =	shalt  }
0x57: {  	_ =	shalt  }
0x58: {  	_ =	shalt  }
0x59: {  	_ =	shalt  }
0x5a: {  	_ =	shalt  }
0x5b: {  	_ =	shalt  }
0x5c: {  	_ =	shalt  }
0x5d: {  	_ =	shalt  }
0x5e: {  	_ =	shalt  }
0x5f: {  	_ =	shalt  }
0x60: {  	_ =	shalt  }
0x61: {  	_ =	shalt  }
0x62: {  	_ =	shalt  }
0x63: {  	_ =	shalt  }
0x64: {  	_ =	shalt  }
0x65: {  	_ =	shalt  }
0x66: {  	_ =	shalt  }
0x67: {  	_ =	shalt  }
0x68: {  	_ =	shalt  }
0x69: {  	_ =	shalt  }
0x6a: {  	_ =	shalt  }
0x6b: {  	_ =	shalt  }
0x6c: {  	_ =	shalt  }
0x6d: {  	_ =	shalt  }
0x6e: {  	_ =	shalt  }
0x6f: {  	_ =	shalt  }
0x70: {  	_ =	shalt  }
0x71: {  	_ =	shalt  }
0x72: {  	_ =	shalt  }
0x73: {  	_ =	shalt  }
0x74: {  	_ =	shalt  }
0x75: {  	_ =	shalt  }
0x76: {  	_ =	shalt  }
0x77: {  	_ =	shalt  }
0x78: {  	_ =	shalt  }
0x79: {  	_ =	shalt  }
0x7a: {  	_ =	shalt  }
0x7b: {  	_ =	shalt  }
0x7c: {  	_ =	shalt  }
0x7d: {  	_ =	shalt  }
0x7e: {  	_ =	shalt  }
0x7f: {  	_ =	shalt  }
0x80: {  	_ =	shalt  }
0x81: {  	_ =	shalt  }
0x82: {  	_ =	shalt  }
0x83: {  	_ =	shalt  }
0x84: {  	_ =	shalt  }
0x85: {  	_ =	shalt  }
0x86: {  	_ =	shalt  }
0x87: {  	_ =	shalt  }
.Lfunc_end0:
.L_simem_size_0:
called_computation_lowered:
.L_overlay_start_0:
0x88: {  	s2 =	sld [smem:$0x3FD9]  }
0x89: {  	s3 =	sld [smem:$0x3FFE];
	_ =	sdelay $0x1  }
0x8a: {  	s1 =	srdreg.scid  }
0x8b: {  	s0 =	sand.u32 $0x1, s1  }
0x8c: {  	s18 =	sshll.u32 s0, $0xA;
	s2 =	sadd.s32 s3, s2  }
0x8d: {  	s2 =	sadd.s32 s2, s18  }
0x8e: {  	[smem:$0x3FC6] =	sst s2  }
0x8f: {  	_ = 	snop  }
0x90: {  	s2 =	sld [smem:$0x3FC9]  }
0x91: {  	s19 =	sld [smem:$0x3FC8]  }
0x92: {  	s4 =	sld [smem:$0x3FD0];
	(tm) =	ssettm $0x1  }
0x93: {  	s5 =	sld [smem:$0x3FFB];
	_ =	sdelay $0x3  }
0x94: {  	_ =	strace s5  }
0x95: {  	s5 =	sld [smem:$0x3FFC];
	_ =	sdelay $0x3  }
0x96: {  	_ =	strace s5  }
0x97: {  	s5 =	sld [smem:$0x3FFD];
	_ =	sdelay $0x3  }
0x98: {  	_ =	strace s5  }
0x99: {  	_ =	strace $0x8FFFFFFF  }
0x9a: {  	s20 =	sld [smem:$0x3FDB];
	_ =	sdelay $0x1  }
0x9b: {  	s6 =	simm.s32 $_scs_section_size  }
0x9c: {  	s7 =	simm.s32 $_size__tile_overlayer_lowered;
	s8 =	simm.s32 $_tile_overlayer_lowered  }
0x9d: {  	s23 =	simm.s32 $0x1BFF;
	s22 =	sshll.u32 s8, $0x1;
	s5 =	sadd.s32 s6, s20  }
0x9e: {  	s9 =	simm.s32 $0x0;
	s21 =	sshll.u32 s7, $0x1;
	s7 =	sadd.s32 s22, s5  }
0x9f: {  	[timem:s9], [sflag:s23] =	dma.local [hbm:s7], s21  }
0xa0: {  	_ =	swait.ge [sflag:s23], s21  }
0xa1: {  	s6 =	ssub.s32 $0x0, s21;
	[sflag:s23] =	ssyncset.done $0x0  }
0xa2: {  	[sflag:s23] =	ssyncadd.s32 s6;
	_ =	sdelay $0x1  }
0xa3: {  	s24 =	simm.s32 $0x1B8B  }
0xa4: {  	_ =	swait.ge [sflag:s24], $0x1  }
0xa5: {  	[sflag:s24] =	ssyncset.done $0x0  }
0xa6: {  	s25 =	simm.s32 $0x1B8E;
	[sflag:s24] =	ssyncadd.s32 $0xFFFFFFFF  }
0xa7: {  	s26 =	simm.s32 $execute0_lowered;
	[smem:$0x3FD2] =	sst s25  }
0xa8: {  	s6 =	sshll.u32 s26, $0x1;
	_ =	strace $0x80000046;
	[dreg:$0x1] =	wrdreg $0xFFFFFFFF  }
0xa9: {  	s28 =	simm.s32 $_size_execute0_lowered;
	s5 =	sadd.s32 s5, s6;
	[dreg:$0x0] =	wrdreg $0x0  }
0xaa: {  	s6 =	sshll.u32 s28, $0x1;
	[dreg:$0x2] =	wrdreg s5  }
0xab: {  	[dreg:$0x3] =	wrdreg s6  }
0xac: {  	[dreg:$0x4] =	wrdreg $0xC0  }
0xad: {  	_ =	task [dreg:s9], $0x5FFFF  }
0xae: {  	[dreg:$0x1] =	wrdreg $0xFFFFFFFF  }
0xaf: {  	[dreg:$0x0] =	wrdreg $0x60  }
0xb0: {  	[dreg:$0x2] =	wrdreg s2  }
0xb1: {  	[dreg:$0x3] =	wrdreg s19  }
0xb2: {  	[dreg:$0x4] =	wrdreg s4  }
0xb3: {  	[dreg:$0x5] =	wrdreg $0x9  }
0xb4: {  	_ =	task.clear_ibuf [dreg:s9], $0x6FFFF;
	_ =	strace $0x90000046  }
0xb5: {  	s29 =	simm.s32 $0x9;
	_ =	strace $0x80000048  }
0xb6: {  	_ =	swait.ge [sflag:s29], $0x1  }
0xb7: {  	[sflag:s29] =	ssyncadd.s32 $0xFFFFFFFF  }
0xb8: {  	_ =	strace $0x90000048  }
0xb9: {  	_ =	sfence  }
0xba: {  	s30 =	sld [smem:$0x0];
	_ =	sdelay $0x2  }
0xbb: {  	s31 =	sshll.u32 s1, $0xD;
	s1 =	sshrl.u32 s1, $0x2  }
0xbc: {  	s3 =	sand.u32 $0x4000, s31;
	s1 =	sadd.s32 s1, s30  }
0xbd: {  	s0 =	sor.u32 s3, s0;
	s1 =	sshll.u32 s1, $0x11  }
0xbe: {  	s0 =	sor.u32 s1, s0  }
0xbf: {  	s0 =	sadd.s32 $0x8F2B, s0  }
0xc0: {  	[sflag:s0] =	ssyncadd.remote.s32 $0x1  }
0xc1: {  	_ =	sfence.sel $0xFFFF  }
0xc2: {  	[dreg:$0x0] =	wrdreg $0xFFFFFFFF;
	(pc) =	sbr.abs _section_cstart, $3  }
0xc3: {  	[dreg:$0x1] =	wrdreg $0xFFFFFFFF  }
0xc4: {  	_ =	task.clear_ibuf [dreg:s9], $0x2FFFF;
	_ =	strace $0x9FFFFFFF  }
0xc5: {  	(tm) =	ssettm $0x7FFFFFFF  }
tec
execute0_lowered:
.L_overlay_start_1:
0x0: {  	(tag) =	ssettag $0x1  }
0x1: {  	s4 =	rddreg [dreg:$0x0]  }
0x2: {  	s1 =	srdreg.scid;
	s2 =	rddreg [dreg:$0x1]  }
0x3: {  	s0 =	stileid.u32;
	s6 =	rddreg [dreg:$0x2];
	s3 =	simm.s32 $0x0  }
0x4: {  	s9 =	simm.s32 $0x400;
	s10 =	simm.s32 $0x8000;
	s11 =	simm.s32 $0x180  }
0x5: {  	s12 =	simm.s32 $0x3D80;
	s13 =	simm.s32 $0x1;
	s14 =	simm.s32 $0x7980  }
0x6: {  	s5 =	sand.u32 $0x1, s1;
	s7 =	sshll.u32 s0, $0x4;
	s1 =	rddreg [dreg:$0x3]  }
.Ltmp0:
0x7: {  	s8 =	sshll.u32 s5, $0x3;
	s5 =	ssub.s32 $0x2, s5;
	(pc) =	sbr.rel .LBB2_1-.Ltmp0, $4  }
0x8: {  	[smem:$0x7FF] =	sst s3;
	s15 =	sor.u32 s8, s7;
	s31 =	sshrl.u32 s5, $0x1  }
0x9: {  	_ =	strace $0x80000047;
	s7 =	sshll.u32 s15, $0x4;
	s8 =	ssub.s32 s5, s31  }
0xa: {  	v0 =	vmov s15;
	s15 =	simm.s32 $0x0;
	s4 =	sadd.s32 s4, s7;
	s6 =	sadd.s32 s6, s7  }
0xb: {  	s7 =	smax.u32 s8, $0x1;
	s8 =	simm.s32 $0x2;
	s5 =	sadd.s32 $0xF000, s4  }
.LBB2_20:
0xc: {  	s15 =	sadd.s32 $0x1, s15  }
0xd: {  	p0 =	sne.s32 s15, s7  }
.Ltmp1:
0xe: {  	_ = 	snop;
	(pc) =	sbr.rel @!p0 .LBB2_21-.Ltmp1, $4  }
0xf: {  	[hbm4b:s6+s3] =	stream.linear.scatter [tilespmem:s14], [sflag:$0x2], $0x400, $0x38;
	[tilespmem:$0x7D80] =	vst v63  }
0x10: {  	_ =	swait.ge [sflag:s8], $0x400  }
0x11: {  	[sflag:s8] =	ssyncset.done $0x0  }
0x12: {  	[sflag:s8] =	ssyncadd.s32 $0xFFFFFC00  }
.LBB2_1:
0x13: {  	[tilespmem:s3], [sflag:$0x2] =	stream.linear.gather [hbm4b:s2+s3], $0x100, $0x38;
	[tilespmem:$0x7D80] =	vst v63  }
0x14: {  	_ =	swait.ge [sflag:s8], $0x100  }
0x15: {  	[sflag:s8] =	ssyncset.done $0x0  }
0x16: {  	[sflag:s8] =	ssyncadd.s32 $0xFFFFFF00  }
0x17: {  	[tilespmem:s11], [sflag:$0x1] =	stream.strided.gather [hbm4b:s4+s9], $0x3C00, s10, s9, $0x38;
	[tilespmem:$0x7D80] =	vst v63  }
.Ltmp2:
0x18: {  	_ = 	snop;
	(pc) =	sbr.rel .LBB2_2-.Ltmp2, $4  }
0x19: {  	[tilespmem:s12], [sflag:$0x1] =	stream.strided.gather [hbm4b:s5+s9], $0x3C00, s10, s9, $0x38;
	[tilespmem:$0x7D80] =	vst v63  }
0x1a: {  	_ =	swait.ge [sflag:s13], $0x3C00  }
0x1b: {  	[sflag:s13] =	ssyncset.done $0x0  }
0x1c: {  	s16 =	simm.s32 $0x1C0;
	s17 =	simm.s32 $0x0;
	[sflag:s13] =	ssyncadd.s32 $0xFFFFC400  }
.LBB2_3:
0x1d: {  	v3 =	vimm.f32 $0.0e+00  }
0x1e: {  	v4 =	vimm.f32 $0.0e+00;
	v5 =	vimm.f32 $0.0e+00;
	v6 =	vimm.f32 $0.0e+00  }
0x1f: {  	v7 =	vimm.f32 $0.0e+00;
	v8 =	vimm.f32 $0.0e+00;
	v2 =	vimm.f32 $0.0e+00  }
.LBB2_10:
0x20: {  	s18 =	sshll.u32 s17, $0x9  }
0x21: {  	s18 =	sshrl.u32 s18, $0x2  }
0x22: {  	[tilespmem:s18+$0x7980] =	vst v1  }
0x23: {  	s17 =	sadd.s32 $0x1, s17;
	[tilespmem:s18+$0x7990] =	vst v3  }
0x24: {  	p0 =	sne.s32 s17, $0x8;
	[tilespmem:s18+$0x79A0] =	vst v4  }
.Ltmp3:
0x25: {  	[tilespmem:s18+$0x79B0] =	vst v5;
	(pc) =	sbr.rel @!p0 .LBB2_11-.Ltmp3, $4  }
0x26: {  	[tilespmem:s18+$0x79C0] =	vst v6  }
0x27: {  	[tilespmem:s18+$0x79D0] =	vst v7  }
0x28: {  	[tilespmem:s18+$0x79E0] =	vst v8  }
0x29: {  	s16 =	sadd.s32 $0x80, s16;
	[tilespmem:s18+$0x79F0] =	vst v2  }
.LBB2_2:
0x2a: {  	_ =	sdelay $0x3  }
0x2b: {  	v1 =	vld.idx.msk [tilespmem:v0+s17+$0x0 ss:$0x1], $0xffff;
	_ =	sdelay $0x4  }
0x2c: {  	(v2sf) =	vpush v1, $0x0;
	_ =	sdelay $0xe  }
0x2d: {  	s18 =	spop (v2sf)  }
0x2e: {  	p0 =	slt.s32 s18, $0x1  }
.Ltmp4:
0x2f: {  	_ = 	snop;
	(pc) =	sbr.rel @p0 .LBB2_3-.Ltmp4, $2  }
0x30: {  	_ =	sdelay $0x2  }
0x31: {  	v1 =	vimm.f32 $0.0e+00  }
0x32: {  	p0 =	sgt.s32 s18, $0x0  }
0x33: {  	s18 =	simm.s32 @!p0 $0x0  }
0x34: {  	s18 =	smin.u32 s18, $0xF  }
0x35: {  	p1 =	sne.s32 s18, $0x1  }
.Ltmp5:
0x36: {  	_ = 	snop;
	(pc) =	sbr.rel @!p1 .LBB2_5-.Ltmp5, $2  }
0x37: {  	_ =	sdelay $0x2  }
0x38: {  	v3 =	vld [tilespmem:s16+$0x30];
	p0 =	por $0x0, $0x0;
	s19 =	sadd.s32 $0xFFFFFFFF, s18  }
0x39: {  	v4 =	vld [tilespmem:s16+$0xFFFFFFD0]  }
0x3a: {  	v5 =	vld [tilespmem:s16+$0xFFFFFFE0]  }
0x3b: {  	v6 =	vld [tilespmem:s16+$0xFFFFFFF0];
	p1 =	sne.s32 s19, $0x1  }
.Ltmp6:
0x3c: {  	v8 =	vld [tilespmem:s16+$0x0];
	(pc) =	sbr.rel @!p1 .LBB2_7-.Ltmp6, $4  }
0x3d: {  	v9 =	vld [tilespmem:s16+$0x10]  }
0x3e: {  	v12 =	vld [tilespmem:s16+$0x20];
	v10 =	vimm.f32 $0.0e+00;
	v11 =	vimm.f32 $0.0e+00  }
0x3f: {  	v13 =	vld [tilespmem:s16+$0xFFFFFFC0];
	s18 =	sadd.s32 $0x400, s16;
	v14 =	vimm.f32 $0.0e+00;
	v2 =	vadd.f32 v3, v1;
	v4 =	vadd.f32 v4, v1  }
0x40: {  	s19 =	sadd.s32 $0xFFFFFFFF, s19;
	p0 =	por $0x1, $0x1;
	v3 =	vld [tilespmem:s18+$0x30];
	v5 =	vadd.f32 v5, v1;
	v7 =	vadd.f32 v6, v1;
	v6 =	vimm.f32 $0.0e+00  }
.LBB2_8:
0x41: {  	p1 =	sne.s32 s19, $0x1;
	v15 =	vld [tilespmem:s18+$0xFFFFFFD0];
	v6 =	vadd.f32 v8, v6  }
0x42: {  	v16 =	vld [tilespmem:s18+$0xFFFFFFE0];
	v10 =	vadd.f32 v9, v10  }
0x43: {  	v17 =	vld [tilespmem:s18+$0xFFFFFFF0];
	v11 =	vadd.f32 v12, v11  }
.Ltmp7:
0x44: {  	v8 =	vld [tilespmem:s18+$0x0];
	v14 =	vadd.f32 v13, v14;
	(pc) =	sbr.rel @p1 .LBB2_8-.Ltmp7, $4  }
0x45: {  	v9 =	vld [tilespmem:s18+$0x10];
	v2 =	vadd.f32 v3, v2  }
0x46: {  	v4 =	vadd.f32 v15, v4;
	v12 =	vld [tilespmem:s18+$0x20]  }
0x47: {  	v13 =	vld [tilespmem:s18+$0xFFFFFFC0];
	v5 =	vadd.f32 v16, v5;
	s18 =	sadd.s32 $0x400, s18  }
0x48: {  	s19 =	sadd.s32 $0xFFFFFFFF, s19;
	v3 =	vld [tilespmem:s18+$0x30];
	v7 =	vadd.f32 v17, v7  }
.LBB2_9:
0x49: {  	v15 =	vld [tilespmem:s18+$0xFFFFFFD0]  }
0x4a: {  	v16 =	vld [tilespmem:s18+$0xFFFFFFE0]  }
0x4b: {  	v17 =	vld [tilespmem:s18+$0xFFFFFFF0]  }
0x4c: {  	v18 =	vld [tilespmem:s18+$0x0]  }
0x4d: {  	v19 =	vld [tilespmem:s18+$0x10]  }
0x4e: {  	v6 =	vadd.f32 @p0 v8, v6;
	v63 =	vld [tilespmem:s18+$0xFFFFFFC0]  }
0x4f: {  	v8 =	vadd.f32 @p0 v9, v10;
	v9 =	vld [tilespmem:s18+$0x20];
	v10 =	vadd.f32 @p0 v12, v11  }
.Ltmp8:
0x50: {  	v11 =	vadd.f32 @p0 v13, v14;
	v2 =	vadd.f32 v3, v2;
	(pc) =	sbr.rel .LBB2_10-.Ltmp8, $4  }
0x51: {  	v6 =	vpsel p0, v6, v1;
	v3 =	vadd.f32 v15, v4;
	v4 =	vadd.f32 v16, v5  }
0x52: {  	v5 =	vadd.f32 v17, v7;
	v7 =	vpsel p0, v8, v1;
	v8 =	vpsel p0, v10, v1  }
0x53: {  	v1 =	vpsel p0, v11, v1;
	v6 =	vadd.f32 v18, v6;
	v7 =	vadd.f32 v19, v7  }
0x54: {  	v8 =	vadd.f32 v9, v8;
	v1 =	vadd.f32 v63, v1  }
.LBB2_5:
.Ltmp9:
0x55: {  	(pc) =	sbr.rel .LBB2_9-.Ltmp9, $4  }
0x56: {  	_ = 	snop  }
0x57: {  	v6 =	vimm.f32 $0.0e+00;
	v10 =	vimm.f32 $0.0e+00  }
0x58: {  	v11 =	vimm.f32 $0.0e+00;
	v14 =	vimm.f32 $0.0e+00;
	v2 =	vimm.f32 $0.0e+00  }
0x59: {  	s18 =	smov.u32 s16;
	v4 =	vimm.f32 $0.0e+00;
	v5 =	vimm.f32 $0.0e+00;
	v7 =	vimm.f32 $0.0e+00  }
.LBB2_7:
.Ltmp10:
0x5a: {  	(pc) =	sbr.rel .LBB2_9-.Ltmp10, $3  }
0x5b: {  	_ =	sdelay $0x1  }
0x5c: {  	v6 =	vimm.f32 $0.0e+00  }
0x5d: {  	v10 =	vimm.f32 $0.0e+00;
	v11 =	vimm.f32 $0.0e+00;
	v14 =	vimm.f32 $0.0e+00  }
.LBB2_11:
.Ltmp11:
0x5e: {  	(pc) =	sbr.rel .LBB2_12-.Ltmp11, $4  }
0x5f: {  	_ = 	snop  }
0x60: {  	_ =	swait.ge [sflag:s13], $0x3C00  }
0x61: {  	[sflag:s13] =	ssyncset.done $0x0  }
0x62: {  	s16 =	simm.s32 $0x0;
	s17 =	simm.s32 $0x3DF0;
	[sflag:s13] =	ssyncadd.s32 $0xFFFFC400  }
.LBB2_14:
0x63: {  	s20 =	smov.u32 s17;
	v13 =	vmovc v5;
	v15 =	vmov v6;
	v16 =	vmov v7;
	v17 =	vmov v8  }
.LBB2_18:
0x64: {  	v18 =	vld [tilespmem:s20+$0xFFFFFFA0]  }
0x65: {  	v19 =	vld [tilespmem:s20+$0xFFFFFFB0]  }
0x66: {  	v20 =	vld [tilespmem:s20+$0xFFFFFFC0]  }
0x67: {  	v21 =	vld [tilespmem:s20+$0xFFFFFFD0]  }
0x68: {  	v22 =	vld [tilespmem:s20+$0xFFFFFFE0]  }
0x69: {  	v10 =	vadd.f32 @p0 v10, v13;
	v62 =	vld [tilespmem:s20+$0xFFFFFFF0]  }
0x6a: {  	v11 =	vadd.f32 @p0 v11, v15;
	v12 =	vadd.f32 @p0 v12, v16;
	v63 =	vld [tilespmem:s20+$0xFFFFFF90]  }
0x6b: {  	v14 =	vadd.f32 @p0 v14, v17;
	v1 =	vadd.f32 v9, v1  }
0x6c: {  	v5 =	vpsel p0, v10, v5;
	v6 =	vpsel p0, v11, v6;
	v3 =	vadd.f32 v18, v3  }
0x6d: {  	v7 =	vpsel p0, v12, v7;
	v4 =	vadd.f32 v19, v4;
	v2 =	vadd.f32 v20, v2  }
0x6e: {  	v8 =	vpsel p0, v14, v8;
	v5 =	vadd.f32 v21, v5;
	v6 =	vadd.f32 v22, v6  }
0x6f: {  	v7 =	vadd.f32 v62, v7;
	v8 =	vadd.f32 v63, v8  }
.LBB2_19:
0x70: {  	p0 =	sgt.s32 s19, $0x1  }
0x71: {  	s19 =	simm.s32 @!p0 $0x1  }
0x72: {  	s19 =	scvt.s32.f32 s19;
	_ =	sdelay $0x1  }
0x73: {  	v9 =	vmov s19  }
0x74: {  	v9 =	vsub.s32 $0x7EF311C3, v9  }
0x75: {  	v10 =	vmul.f32 s19, v9;
	_ =	sdelay $0x1  }
0x76: {  	v10 =	vsub.f32 $2.000000000e+00, v10;
	_ =	sdelay $0x1  }
0x77: {  	v9 =	vmul.f32 v9, v10;
	_ =	sdelay $0x1  }
0x78: {  	v10 =	vmul.f32 s19, v9;
	_ =	sdelay $0x1  }
0x79: {  	v10 =	vsub.f32 $2.000000000e+00, v10;
	_ =	sdelay $0x1  }
0x7a: {  	v9 =	vmul.f32 v10, v9;
	_ =	sdelay $0x1  }
0x7b: {  	v10 =	vmul.f32 s19, v9;
	_ =	sdelay $0x1  }
0x7c: {  	v10 =	vsub.f32 $2.000000000e+00, v10;
	_ =	sdelay $0x1  }
0x7d: {  	v9 =	vmul.f32 v10, v9;
	_ =	sdelay $0x1  }
0x7e: {  	v8 =	vmul.f32 v8, v9  }
0x7f: {  	v3 =	vmul.f32 v3, v9  }
0x80: {  	v4 =	vmul.f32 v4, v9;
	[tilespmem:s18+$0x7980] =	vst v8  }
0x81: {  	s16 =	sadd.s32 $0x1, s16;
	v2 =	vmul.f32 v2, v9;
	[tilespmem:s18+$0x7990] =	vst v3  }
0x82: {  	p0 =	sne.s32 s16, $0x8;
	v63 =	vmul.f32 v6, v9;
	[tilespmem:s18+$0x79A0] =	vst v4  }
.Ltmp12:
0x83: {  	v1 =	vmul.f32 v1, v9;
	[tilespmem:s18+$0x79B0] =	vst v2;
	(pc) =	sbr.rel @!p0 .LBB2_20-.Ltmp12, $4  }
0x84: {  	v3 =	vmul.f32 v5, v9;
	[tilespmem:s18+$0x79D0] =	vst v63  }
0x85: {  	v2 =	vmul.f32 v7, v9;
	[tilespmem:s18+$0x79F0] =	vst v1  }
0x86: {  	[tilespmem:s18+$0x79C0] =	vst v3  }
0x87: {  	s17 =	sadd.s32 $0x80, s17;
	[tilespmem:s18+$0x79E0] =	vst v2  }
.LBB2_12:
0x88: {  	_ =	sdelay $0x3  }
0x89: {  	v1 =	vld.idx.msk [tilespmem:v0+s16+$0x0 ss:$0x1], $0xffff;
	_ =	sdelay $0x4  }
0x8a: {  	(v2sf) =	vpush v1, $0x0;
	_ =	sdelay $0xc  }
0x8b: {  	s18 =	sshll.u32 s16, $0x7  }
0x8c: {  	v8 =	vld [tilespmem:s18+$0x7980]  }
0x8d: {  	v5 =	vld [tilespmem:s18+$0x79C0];
	s19 =	spop (v2sf)  }
0x8e: {  	v6 =	vld [tilespmem:s18+$0x79D0];
	p1 =	slt.s32 s19, $0x10  }
.Ltmp13:
0x8f: {  	v7 =	vld [tilespmem:s18+$0x79E0];
	(pc) =	sbr.rel @p1 .LBB2_19-.Ltmp13, $4  }
0x90: {  	v3 =	vld [tilespmem:s18+$0x7990]  }
0x91: {  	v4 =	vld [tilespmem:s18+$0x79A0]  }
0x92: {  	v2 =	vld [tilespmem:s18+$0x79B0];
	p0 =	slt.s32 s19, $0x1E  }
0x93: {  	v1 =	vld [tilespmem:s18+$0x79F0];
	s19 =	simm.s32 @!p0 $0x1E  }
0x94: {  	p0 =	sgt.s32 s19, $0xF;
	s20 =	smov.u32 s19  }
0x95: {  	s20 =	simm.s32 @!p0 $0xF  }
0x96: {  	s20 =	sadd.s32 $0xFFFFFFF1, s20  }
0x97: {  	p1 =	sne.s32 s20, $0x1  }
.Ltmp14:
0x98: {  	_ = 	snop;
	(pc) =	sbr.rel @!p1 .LBB2_14-.Ltmp14, $2  }
0x99: {  	_ =	sdelay $0x2  }
0x9a: {  	v9 =	vld [tilespmem:s17+$0x0];
	p0 =	por $0x0, $0x0;
	s21 =	sadd.s32 $0xFFFFFFFF, s20  }
0x9b: {  	v13 =	vld [tilespmem:s17+$0xFFFFFFA0]  }
0x9c: {  	v15 =	vld [tilespmem:s17+$0xFFFFFFB0]  }
0x9d: {  	v16 =	vld [tilespmem:s17+$0xFFFFFFC0];
	p1 =	sne.s32 s21, $0x1  }
.Ltmp15:
0x9e: {  	v10 =	vld [tilespmem:s17+$0xFFFFFFD0];
	(pc) =	sbr.rel @!p1 .LBB2_16-.Ltmp15, $4  }
0x9f: {  	v11 =	vld [tilespmem:s17+$0xFFFFFFE0]  }
0xa0: {  	v12 =	vld [tilespmem:s17+$0xFFFFFFF0]  }
0xa1: {  	v14 =	vld [tilespmem:s17+$0xFFFFFF90];
	s20 =	sadd.s32 $0x400, s17;
	v17 =	vmov v8;
	v1 =	vadd.f32 v9, v1;
	v3 =	vadd.f32 v13, v3  }
0xa2: {  	s21 =	sadd.s32 $0xFFFFFFFF, s21;
	p0 =	por $0x1, $0x1;
	v9 =	vld [tilespmem:s20+$0x0];
	v4 =	vadd.f32 v15, v4;
	v2 =	vadd.f32 v16, v2;
	v13 =	vmovc v5;
	v15 =	vmovc v6;
	v16 =	vmov v7  }
.LBB2_17:
0xa3: {  	p1 =	sne.s32 s21, $0x1;
	v18 =	vld [tilespmem:s20+$0xFFFFFFA0];
	v13 =	vadd.f32 v10, v13  }
0xa4: {  	v15 =	vadd.f32 v11, v15;
	v19 =	vld [tilespmem:s20+$0xFFFFFFB0]  }
0xa5: {  	v16 =	vadd.f32 v12, v16;
	v20 =	vld [tilespmem:s20+$0xFFFFFFC0]  }
.Ltmp16:
0xa6: {  	v17 =	vadd.f32 v14, v17;
	v10 =	vld [tilespmem:s20+$0xFFFFFFD0];
	(pc) =	sbr.rel @p1 .LBB2_17-.Ltmp16, $4  }
0xa7: {  	v1 =	vadd.f32 v9, v1;
	v11 =	vld [tilespmem:s20+$0xFFFFFFE0]  }
0xa8: {  	v3 =	vadd.f32 v18, v3;
	v12 =	vld [tilespmem:s20+$0xFFFFFFF0]  }
0xa9: {  	v14 =	vld [tilespmem:s20+$0xFFFFFF90];
	v4 =	vadd.f32 v19, v4;
	s20 =	sadd.s32 $0x400, s20  }
0xaa: {  	s21 =	sadd.s32 $0xFFFFFFFF, s21;
	v9 =	vld [tilespmem:s20+$0x0];
	v2 =	vadd.f32 v20, v2  }
.Ltmp17:
0xab: {  	_ = 	snop;
	(pc) =	sbr.rel .LBB2_18-.Ltmp17, $1  }
0xac: {  	_ =	sdelay $0x3  }
.LBB2_16:
.Ltmp18:
0xad: {  	(pc) =	sbr.rel .LBB2_18-.Ltmp18, $2  }
0xae: {  	_ =	sdelay $0x2  }
0xaf: {  	v13 =	vmovc v5;
	v15 =	vmov v6;
	v16 =	vmov v7;
	v17 =	vmov v8  }
.LBB2_21:
0xb0: {  	_ =	sfence.sel $0x180000  }
0xb1: {  	[bflag:$0x0] =	sbarrier.arrive $0xFFFF  }
0xb2: {  	p0 =	sne.s32 s0, $0x0;
	_ =	strace $0x90000047  }
0xb3: {  	s0 =	sadd.s32 @!p0 $0x100000, s1;
	[bflag:$0x2] =	sbarrier.arrive $0xFFFF  }
0xb4: {  	[sflag:s0] =	ssyncadd.tile.s32 @!p0 $0x1;
	_ =	shalt  }
.Lfunc_end2:
_tile_overlayer_lowered:
.L_overlay_start_2:
0xb5: {  	(tag) =	ssettag $0x2  }
0xb6: {  	s0 =	rddreg [dreg:$0x0];
	s2 =	stileid.u32  }
0xb7: {  	s1 =	rddreg [dreg:$0x1];
	p0 =	sne.s32 s2, $0x0  }
0xb8: {  	s3 =	rddreg [dreg:$0x2];
	[bflag:$0x3] =	sbarrier.arrive $0xFFFF;
	s2 =	simm.s32 @!p0 $0x1C02  }
0xb9: {  	[timem:s3], [sflag:s2] =	dma.local @!p0 [hbm:s0], s1  }
0xba: {  	s0 =	simm.s32 @!p0 $0x2  }
0xbb: {  	_ =	swait.ge @!p0 [sflag:s0], s1  }
0xbc: {  	s1 =	ssub.s32 @!p0 $0x0, s1;
	[sflag:s0] =	ssyncset.done @!p0 $0x0  }
0xbd: {  	[sflag:s0] =	ssyncadd.s32 @!p0 s1  }
0xbe: {  	[bflag:$0x3] =	sbarrier.arrive $0xFFFF  }
0xbf: {  	_ =	shalt  }

</sc_bundles>
